<compile_context>
chip_gen: v7x
topology: tpu7x:2x2x1
jax: 0.10.2.dev20260603
libtpu: 0.0.44.dev20260713+nightly
codegen_flags: <defaults>
</compile_context>

<pallas_src>
import functools

import jax
import jax.numpy as jnp
from jax import lax
from jax.experimental import pallas as pl
from jax.experimental.pallas import tpu as pltpu
from jax.experimental.pallas import tpu_sc as plsc

B = 2
C_IN = 96
H = 112
W = 112
R = 2
KK = 9
C1D = C_IN * R * R
C_OUT = 96
T = (H // R) * (W // R)
ROWS = 448
NTILE = T // ROWS

NC, NS = 2, 16
NW = NC * NS
IDX_TOTAL = B * T * KK
CHUNK = 128
NCHUNK = 16
PER_W = NCHUNK * CHUNK
IDX_PAD = NW * PER_W
GROUP = 4
GROWS = GROUP * CHUNK

SIM_DTYPE = jnp.bfloat16


def _prep_body(flat_ref, wv1_ref, knT_ref, hT_ref):
    f = flat_ref[0]
    n_c = jnp.sqrt(jnp.sum(f * f, axis=0, keepdims=True))
    knT_ref[0] = (f / (n_c + 1e-8)).astype(SIM_DTYPE)
    h = lax.dot_general(f, wv1_ref[...], (((0,), (1,)), ((), ())),
                        preferred_element_type=jnp.float32)
    hT_ref[0] = jnp.maximum(h, 0.0)


def _prep(flat, w_v1):
    return pl.pallas_call(
        _prep_body,
        grid=(B,),
        in_specs=[
            pl.BlockSpec((1, C1D, T), lambda b: (b, 0, 0)),
            pl.BlockSpec((8, C1D), lambda b: (0, 0)),
        ],
        out_specs=[
            pl.BlockSpec((1, C1D, T), lambda b: (b, 0, 0)),
            pl.BlockSpec((1, T, 8), lambda b: (b, 0, 0)),
        ],
        out_shape=[
            jax.ShapeDtypeStruct((B, C1D, T), SIM_DTYPE),
            jax.ShapeDtypeStruct((B, T, 8), jnp.float32),
        ],
    )(flat, w_v1)


def _topk_body(knr_ref, knT_ref, attn_ref, topi_ref):
    b = pl.program_id(0)
    i = pl.program_id(1)
    rows = knr_ref[0]
    cols = knT_ref[0]
    sim = jnp.dot(rows, cols, preferred_element_type=jnp.float32)
    col_ids = lax.broadcasted_iota(jnp.int32, (ROWS, T), 1)
    row_ids = lax.broadcasted_iota(jnp.int32, (ROWS, T), 0) + i * ROWS
    sim = jnp.where(col_ids == row_ids, 1.1, sim)
    vals, idxs = [], []
    for _ in range(KK):
        m = jnp.max(sim, axis=1, keepdims=True)
        hit = sim == m
        idx = jnp.min(jnp.where(hit, col_ids, T), axis=1, keepdims=True)
        vals.append(m)
        idxs.append(idx)
        sim = jnp.where(col_ids == idx, -3.0, sim)
    topv = jnp.concatenate(vals, axis=1)
    topi = jnp.concatenate(idxs, axis=1)
    e = jnp.exp(topv - jnp.max(topv, axis=1, keepdims=True))
    attn_ref[0] = e / jnp.sum(e, axis=1, keepdims=True)
    topi_ref[0] = topi + b * T


def _topk(knr, knT):
    return pl.pallas_call(
        _topk_body,
        grid=(B, NTILE),
        in_specs=[
            pl.BlockSpec((1, ROWS, C1D), lambda b, i: (b, i, 0)),
            pl.BlockSpec((1, C1D, T), lambda b, i: (b, 0, 0)),
        ],
        out_specs=[
            pl.BlockSpec((1, ROWS, KK), lambda b, i: (b, i, 0)),
            pl.BlockSpec((1, ROWS, KK), lambda b, i: (b, i, 0)),
        ],
        out_shape=[
            jax.ShapeDtypeStruct((B, T, KK), jnp.float32),
            jax.ShapeDtypeStruct((B, T, KK), jnp.int32),
        ],
    )(knr, knT)


def _sc_gather_body(table_hbm, idx_hbm, out_hbm, table_v, idx_v, out_v):
    wid = lax.axis_index("s") * NC + lax.axis_index("c")
    pltpu.sync_copy(idx_hbm.at[pl.ds(wid * PER_W, PER_W)], idx_v)
    pltpu.sync_copy(table_hbm, table_v)
    lane = lax.iota(jnp.int32, 16)
    out_base = wid * PER_W * 8

    def chunk_body(c, carry):
        for jv in range(CHUNK // 16):
            j16 = lane + jv * 16
            idx16 = plsc.load_gather(idx_v, [c * CHUNK + j16])
            a16 = idx16 * 8
            o16 = j16 * 8
            for ch in range(8):
                vals = plsc.load_gather(table_v, [a16 + ch])
                plsc.store_scatter(out_v, [o16 + ch], vals)
        pltpu.sync_copy(
            out_v,
            out_hbm.at[pl.ds(out_base + c * (CHUNK * 8), CHUNK * 8)])
        return carry

    lax.fori_loop(0, NCHUNK, chunk_body, 0)


@functools.cache
def _make_sc_gather():
    return pl.kernel(
        _sc_gather_body,
        out_type=jax.ShapeDtypeStruct((IDX_PAD * 8,), jnp.float32),
        mesh=plsc.VectorSubcoreMesh(core_axis_name="c",
                                    subcore_axis_name="s"),
        compiler_params=pltpu.CompilerParams(needs_layout_passes=False),
        scratch_types=[
            pltpu.VMEM((B * T * 8,), jnp.float32),
            pltpu.VMEM((PER_W,), jnp.int32),
            pltpu.VMEM((CHUNK * 8,), jnp.float32),
        ],
    )


def _sc_gather(table, idx_pad):
    return _make_sc_gather()(table, idx_pad)


def _finish_body(gath_ref, attn_ref, wc9_ref, wv2_ref, wo_ref, bc_ref,
                 out_ref):
    wo = wo_ref[...]
    blocks = []
    for k in range(KK):
        wck = wc9_ref[k * C_OUT:(k + 1) * C_OUT, :]
        mkT = lax.dot_general(wv2_ref[...], wck, (((0,), (1,)), ((), ())),
                              preferred_element_type=jnp.float32)
        blk = lax.dot_general(mkT, wo, (((1,), (1,)), ((), ())),
                              preferred_element_type=jnp.float32)
        blocks.append(blk)
    wbig = jnp.concatenate(blocks, axis=0)
    jj = lax.broadcasted_iota(jnp.int32, (KK, KK * 8), 1)
    kk = lax.broadcasted_iota(jnp.int32, (KK, KK * 8), 0)
    expand = jnp.where(jj // 8 == kk, 1.0, 0.0)
    attn16 = jnp.dot(attn_ref[...], expand,
                     preferred_element_type=jnp.float32)
    g16 = gath_ref[...] * attn16
    out = jnp.dot(g16, wbig, preferred_element_type=jnp.float32)
    bias2 = lax.dot_general(bc_ref[...], wo, (((1,), (1,)), ((), ())),
                            preferred_element_type=jnp.float32)
    out_ref[...] = out + bias2


def _finish(gath144, attn2, wc9, w_v2, w_o, b_conv2):
    return pl.pallas_call(
        _finish_body,
        out_shape=jax.ShapeDtypeStruct((B * T, C_OUT), jnp.float32),
    )(gath144, attn2, wc9, w_v2, w_o, b_conv2)


def kernel(x, W_v1, W_v2, W_conv, b_conv, W_o):
    xs = x.reshape(B, C_IN, H // R, R, W // R, R)
    xs = xs.transpose(0, 1, 3, 5, 2, 4)
    flat = xs.reshape(B, C1D, T)

    knT, hT16 = _prep(flat, W_v1)
    knr = knT.transpose(0, 2, 1)
    attn, topig = _topk(knr, knT)

    idx_flat = topig.reshape(IDX_TOTAL)
    idx_pad = jnp.concatenate(
        [idx_flat, jnp.zeros((IDX_PAD - IDX_TOTAL,), jnp.int32)])
    table = hT16.reshape(B * T * 8)

    gath = _sc_gather(table, idx_pad)
    gath144 = gath.reshape(IDX_PAD, 8)[:IDX_TOTAL].reshape(
        B * T, KK * 8)

    wc9 = jnp.transpose(W_conv, (2, 0, 1)).reshape(KK * C_OUT, C1D)
    out = _finish(gath144, attn.reshape(B * T, KK), wc9, W_v2, W_o,
                  b_conv.reshape(1, C_OUT))
    return out.reshape(B, T, C_OUT).transpose(0, 2, 1).reshape(
        B, C_OUT, H // R, W // R)

# --- scband reference (transcript-rebuilt; emitter-appended) ---
"""Pipeline reference for scband-conv2d-nn-attn-36378372997763 (READ-ONLY COPY).

The authoritative reference and input builder live on the scoring server;
editing this copy changes nothing except your own understanding.
"""

import jax, jax.numpy as jnp
import numpy as np

B, C_IN, H, W = 2, 96, 112, 112
R = 2
KK = 9
C1D = C_IN * R * R  # 384
C_OUT = 96


def setup_inputs(seed: int = 0) -> dict:
    key = jax.random.key(seed)
    ks = jax.random.split(key, 6)
    return {
        "x": jax.random.normal(ks[0], (B, C_IN, H, W), dtype=jnp.float32),
        "W_v1": jax.random.normal(ks[1], (8, C1D), dtype=jnp.float32) * 0.05,
        "W_v2": jax.random.normal(ks[2], (C1D, 8), dtype=jnp.float32) * 0.05,
        "W_conv": jax.random.normal(ks[3], (C_OUT, C1D, KK), dtype=jnp.float32) * (1.0 / np.sqrt(C1D * KK)),
        "b_conv": jnp.zeros((C_OUT,), dtype=jnp.float32),
        "W_o": jax.random.normal(ks[4], (C_OUT, C_OUT), dtype=jnp.float32) * (1.0 / np.sqrt(C_OUT)),
    }


def _pixel_unshuffle(x, r):
    b, c, h, w = x.shape
    x = x.reshape(b, c, h // r, r, w // r, r)
    x = x.transpose(0, 1, 3, 5, 2, 4)
    return x.reshape(b, c * r * r, h // r, w // r)


def _forward(x, W_v1, W_v2, W_conv, b_conv, W_o):
    # shuffle_pattern='B': PixelUnshuffle before
    xs = _pixel_unshuffle(x, R)
    b, c, h, w = xs.shape
    T = h * w
    flat = xs.reshape(b, c, T)  # [B, C1D, T]
    k = flat
    q = flat  # sampling_type='all' -> q = x
    # w_v: 1x1 conv C1D->8, ReLU, 1x1 conv 8->C1D (no bias)
    v = jnp.einsum('oc,bct->bot', W_v2, jax.nn.relu(jnp.einsum('oc,bct->bot', W_v1, flat)))
    # cosine similarity matrix with diagonal forced to 1.1 (self always selected)
    kn = k / (jnp.linalg.norm(k, axis=1, keepdims=True) + 1e-8)
    qn = q / (jnp.linalg.norm(q, axis=1, keepdims=True) + 1e-8)
    sim = jnp.einsum('bct,bcs->bts', kn, qn)  # [B, T, T]
    diag = jnp.arange(T)
    sim = sim.at[:, diag, diag].set(1.1)
    # _prime: top-K neighbors per token (largest=True for cosine),
    # attention-softmax over the K similarity values, weighted gather of v
    topv, topi = jax.lax.top_k(sim, KK)  # [B, T, K]
    attn = jax.nn.softmax(topv, axis=-1)  # dropout p=0.0 -> identity
    gathered = jnp.take_along_axis(v[:, :, None, :], topi[:, None, :, :], axis=3)  # [B, C1D, T, K]
    prime = gathered * attn[:, None, :, :]  # [B, C1D, T, K] == [B, C1D, T*K] strided
    # conv1d kernel=K stride=K == per-token einsum over the K gathered neighbors
    out = jnp.einsum('bctk,ock->bot', prime, W_conv) + b_conv[None, :, None]
    # w_o 1x1 conv
    out = jnp.einsum('oc,bct->bot', W_o, out)
    return out.reshape(b, out.shape[1], h, w)  # unflatten to og spatial shape


def reference(x, W_v1, W_v2, W_conv, b_conv, W_o):
    return _forward(x, W_v1, W_v2, W_conv, b_conv, W_o)

if __name__ == "__main__":
    import jax
    _d = setup_inputs()
    print(jax.jit(kernel)(*tuple(_d.values())))

</pallas_src>

<mosaic_0001>
#map = affine_map<(d0, d1) -> (0)>
module attributes {stable_mosaic.version = 14 : i64} {
  func.func @_sc_gather_body(%arg0: i32, %arg1: i32, %arg2: memref<50176xf32, #tpu.memory_space<hbm>>, %arg3: memref<65536xi32, #tpu.memory_space<hbm>>, %arg4: memref<524288xf32, #tpu.memory_space<hbm>>, %arg5: memref<50176xf32, #tpu.memory_space<vmem>>, %arg6: memref<2048xi32, #tpu.memory_space<vmem>>, %arg7: memref<1024xf32, #tpu.memory_space<vmem>>) attributes {dimension_semantics = [#tpu.dimension_semantics<core_parallel>, #tpu.dimension_semantics<subcore_parallel>], iteration_bounds = array<i64: 2, 16>, scalar_prefetch = 0 : i64, scratch_operands = 3 : i64, tpu.core_type = #tpu.core_type<sc_vector_subcore>, window_params = [{transform_indices = #map}, {transform_indices = #map}, {transform_indices = #map}]} {
    %mul3A = arith.constant 2 : i32
    %mul3A_0 = arith.muli %arg1, %mul3A : i32
    %add3A = arith.addi %mul3A_0, %arg0 : i32
    %mul3A_1 = arith.constant 2048 : i32
    %mul3A_2 = arith.muli %add3A, %mul3A_1 : i32
    "tpu.region"() ({
      %run_scoped3A = tpu.sem_alloc : memref<!tpu.dma_semaphore, #tpu.memory_space<semaphore_mem>>
      %dma_start3A = tpu.memref_slice %arg3[%mul3A_2] : memref<65536xi32, #tpu.memory_space<hbm>> -> memref<2048xi32, #tpu.memory_space<hbm>>
      %dma_start3A_12 = tpu.memref_slice %arg3[%mul3A_2] : memref<65536xi32, #tpu.memory_space<hbm>> -> memref<2048xi32, #tpu.memory_space<hbm>>
      tpu.enqueue_dma source(%dma_start3A_12 : memref<2048xi32, #tpu.memory_space<hbm>>) target(%arg6 : memref<2048xi32, #tpu.memory_space<vmem>>) target_semaphore(%run_scoped3A : memref<!tpu.dma_semaphore, #tpu.memory_space<semaphore_mem>>)
      %dma_wait3A = tpu.memref_slice %arg3[%mul3A_2] : memref<65536xi32, #tpu.memory_space<hbm>> -> memref<2048xi32, #tpu.memory_space<hbm>>
      %dma_wait3A_13 = tpu.memref_slice %arg3[%mul3A_2] : memref<65536xi32, #tpu.memory_space<hbm>> -> memref<2048xi32, #tpu.memory_space<hbm>>
      tpu.wait_dma2 semaphore(%run_scoped3A : memref<!tpu.dma_semaphore, #tpu.memory_space<semaphore_mem>>) src(%dma_wait3A_13 : memref<2048xi32, #tpu.memory_space<hbm>>) dst(%arg6 : memref<2048xi32, #tpu.memory_space<vmem>>)
      tpu.yield
    }) : () -> ()
    "tpu.region"() ({
      %run_scoped3A = tpu.sem_alloc : memref<!tpu.dma_semaphore, #tpu.memory_space<semaphore_mem>>
      tpu.enqueue_dma source(%arg2 : memref<50176xf32, #tpu.memory_space<hbm>>) target(%arg5 : memref<50176xf32, #tpu.memory_space<vmem>>) target_semaphore(%run_scoped3A : memref<!tpu.dma_semaphore, #tpu.memory_space<semaphore_mem>>)
      tpu.wait_dma2 semaphore(%run_scoped3A : memref<!tpu.dma_semaphore, #tpu.memory_space<semaphore_mem>>) src(%arg2 : memref<50176xf32, #tpu.memory_space<hbm>>) dst(%arg5 : memref<50176xf32, #tpu.memory_space<vmem>>)
      tpu.yield
    }) : () -> ()
    %iota3A = tpu.iota {dimensions = array<i32: 0>} : vector<16xi32>
    %mul3A_3 = arith.constant 2048 : i32
    %mul3A_4 = arith.muli %add3A, %mul3A_3 : i32
    %mul3A_5 = arith.constant 8 : i32
    %mul3A_6 = arith.muli %mul3A_4, %mul3A_5 : i32
    %scan3A = arith.constant 0 : i32
    %scan3A_7 = arith.constant 0 : i32
    %scan3A_8 = arith.constant 16 : i32
    %scan3A_9 = arith.addi %scan3A_7, %scan3A_8 : i32
    %scan3A_10 = arith.constant 1 : i32
    scf.for %scan3A_12 = %scan3A_7 to %scan3A_9 step %scan3A_10  : i32 {
      %add3A_13 = arith.constant 0 : i32
      %add3A_14 = vector.broadcast %add3A_13 : i32 to vector<16xi32>
      %add3A_15 = arith.addi %iota3A, %add3A_14 : vector<16xi32>
      %mul3A_16 = arith.constant 128 : i32
      %mul3A_17 = arith.muli %scan3A_12, %mul3A_16 : i32
      %add3A_18 = vector.broadcast %mul3A_17 : i32 to vector<16xi32>
      %add3A_19 = arith.addi %add3A_18, %add3A_15 : vector<16xi32>
      %gather3A = tpu.vector_load_idx %arg6[%add3A_19] : memref<2048xi32, #tpu.memory_space<vmem>>[vector<16xi32>], vector<16xi32>,
      %mul3A_20 = arith.constant 8 : i32
      %mul3A_21 = vector.broadcast %mul3A_20 : i32 to vector<16xi32>
      %mul3A_22 = arith.muli %gather3A, %mul3A_21 : vector<16xi32>
      %mul3A_23 = arith.constant 8 : i32
      %mul3A_24 = vector.broadcast %mul3A_23 : i32 to vector<16xi32>
      %mul3A_25 = arith.muli %add3A_15, %mul3A_24 : vector<16xi32>
      %add3A_26 = arith.constant 0 : i32
      %add3A_27 = vector.broadcast %add3A_26 : i32 to vector<16xi32>
      %add3A_28 = arith.addi %mul3A_22, %add3A_27 : vector<16xi32>
      %gather3A_29 = tpu.vector_load_idx %arg5[%add3A_28] : memref<50176xf32, #tpu.memory_space<vmem>>[vector<16xi32>], vector<16xf32>,
      %add3A_30 = arith.constant 0 : i32
      %add3A_31 = vector.broadcast %add3A_30 : i32 to vector<16xi32>
      %add3A_32 = arith.addi %mul3A_25, %add3A_31 : vector<16xi32>
      tpu.vector_store_idx %arg7[%add3A_32], %gather3A_29 : memref<1024xf32, #tpu.memory_space<vmem>>[vector<16xi32>], vector<16xf32>,
      %add3A_33 = arith.constant 1 : i32
      %add3A_34 = vector.broadcast %add3A_33 : i32 to vector<16xi32>
      %add3A_35 = arith.addi %mul3A_22, %add3A_34 : vector<16xi32>
      %gather3A_36 = tpu.vector_load_idx %arg5[%add3A_35] : memref<50176xf32, #tpu.memory_space<vmem>>[vector<16xi32>], vector<16xf32>,
      %add3A_37 = arith.constant 1 : i32
      %add3A_38 = vector.broadcast %add3A_37 : i32 to vector<16xi32>
      %add3A_39 = arith.addi %mul3A_25, %add3A_38 : vector<16xi32>
      tpu.vector_store_idx %arg7[%add3A_39], %gather3A_36 : memref<1024xf32, #tpu.memory_space<vmem>>[vector<16xi32>], vector<16xf32>,
      %add3A_40 = arith.constant 2 : i32
      %add3A_41 = vector.broadcast %add3A_40 : i32 to vector<16xi32>
      %add3A_42 = arith.addi %mul3A_22, %add3A_41 : vector<16xi32>
      %gather3A_43 = tpu.vector_load_idx %arg5[%add3A_42] : memref<50176xf32, #tpu.memory_space<vmem>>[vector<16xi32>], vector<16xf32>,
      %add3A_44 = arith.constant 2 : i32
      %add3A_45 = vector.broadcast %add3A_44 : i32 to vector<16xi32>
      %add3A_46 = arith.addi %mul3A_25, %add3A_45 : vector<16xi32>
      tpu.vector_store_idx %arg7[%add3A_46], %gather3A_43 : memref<1024xf32, #tpu.memory_space<vmem>>[vector<16xi32>], vector<16xf32>,
      %add3A_47 = arith.constant 3 : i32
      %add3A_48 = vector.broadcast %add3A_47 : i32 to vector<16xi32>
      %add3A_49 = arith.addi %mul3A_22, %add3A_48 : vector<16xi32>
      %gather3A_50 = tpu.vector_load_idx %arg5[%add3A_49] : memref<50176xf32, #tpu.memory_space<vmem>>[vector<16xi32>], vector<16xf32>,
      %add3A_51 = arith.constant 3 : i32
      %add3A_52 = vector.broadcast %add3A_51 : i32 to vector<16xi32>
      %add3A_53 = arith.addi %mul3A_25, %add3A_52 : vector<16xi32>
      tpu.vector_store_idx %arg7[%add3A_53], %gather3A_50 : memref<1024xf32, #tpu.memory_space<vmem>>[vector<16xi32>], vector<16xf32>,
      %add3A_54 = arith.constant 4 : i32
      %add3A_55 = vector.broadcast %add3A_54 : i32 to vector<16xi32>
      %add3A_56 = arith.addi %mul3A_22, %add3A_55 : vector<16xi32>
      %gather3A_57 = tpu.vector_load_idx %arg5[%add3A_56] : memref<50176xf32, #tpu.memory_space<vmem>>[vector<16xi32>], vector<16xf32>,
      %add3A_58 = arith.constant 4 : i32
      %add3A_59 = vector.broadcast %add3A_58 : i32 to vector<16xi32>
      %add3A_60 = arith.addi %mul3A_25, %add3A_59 : vector<16xi32>
      tpu.vector_store_idx %arg7[%add3A_60], %gather3A_57 : memref<1024xf32, #tpu.memory_space<vmem>>[vector<16xi32>], vector<16xf32>,
      %add3A_61 = arith.constant 5 : i32
      %add3A_62 = vector.broadcast %add3A_61 : i32 to vector<16xi32>
      %add3A_63 = arith.addi %mul3A_22, %add3A_62 : vector<16xi32>
      %gather3A_64 = tpu.vector_load_idx %arg5[%add3A_63] : memref<50176xf32, #tpu.memory_space<vmem>>[vector<16xi32>], vector<16xf32>,
      %add3A_65 = arith.constant 5 : i32
      %add3A_66 = vector.broadcast %add3A_65 : i32 to vector<16xi32>
      %add3A_67 = arith.addi %mul3A_25, %add3A_66 : vector<16xi32>
      tpu.vector_store_idx %arg7[%add3A_67], %gather3A_64 : memref<1024xf32, #tpu.memory_space<vmem>>[vector<16xi32>], vector<16xf32>,
      %add3A_68 = arith.constant 6 : i32
      %add3A_69 = vector.broadcast %add3A_68 : i32 to vector<16xi32>
      %add3A_70 = arith.addi %mul3A_22, %add3A_69 : vector<16xi32>
      %gather3A_71 = tpu.vector_load_idx %arg5[%add3A_70] : memref<50176xf32, #tpu.memory_space<vmem>>[vector<16xi32>], vector<16xf32>,
      %add3A_72 = arith.constant 6 : i32
      %add3A_73 = vector.broadcast %add3A_72 : i32 to vector<16xi32>
      %add3A_74 = arith.addi %mul3A_25, %add3A_73 : vector<16xi32>
      tpu.vector_store_idx %arg7[%add3A_74], %gather3A_71 : memref<1024xf32, #tpu.memory_space<vmem>>[vector<16xi32>], vector<16xf32>,
      %add3A_75 = arith.constant 7 : i32
      %add3A_76 = vector.broadcast %add3A_75 : i32 to vector<16xi32>
      %add3A_77 = arith.addi %mul3A_22, %add3A_76 : vector<16xi32>
      %gather3A_78 = tpu.vector_load_idx %arg5[%add3A_77] : memref<50176xf32, #tpu.memory_space<vmem>>[vector<16xi32>], vector<16xf32>,
      %add3A_79 = arith.constant 7 : i32
      %add3A_80 = vector.broadcast %add3A_79 : i32 to vector<16xi32>
      %add3A_81 = arith.addi %mul3A_25, %add3A_80 : vector<16xi32>
      tpu.vector_store_idx %arg7[%add3A_81], %gather3A_78 : memref<1024xf32, #tpu.memory_space<vmem>>[vector<16xi32>], vector<16xf32>,
      %add3A_82 = arith.constant 16 : i32
      %add3A_83 = vector.broadcast %add3A_82 : i32 to vector<16xi32>
      %add3A_84 = arith.addi %iota3A, %add3A_83 : vector<16xi32>
      %mul3A_85 = arith.constant 128 : i32
      %mul3A_86 = arith.muli %scan3A_12, %mul3A_85 : i32
      %add3A_87 = vector.broadcast %mul3A_86 : i32 to vector<16xi32>
      %add3A_88 = arith.addi %add3A_87, %add3A_84 : vector<16xi32>
      %gather3A_89 = tpu.vector_load_idx %arg6[%add3A_88] : memref<2048xi32, #tpu.memory_space<vmem>>[vector<16xi32>], vector<16xi32>,
      %mul3A_90 = arith.constant 8 : i32
      %mul3A_91 = vector.broadcast %mul3A_90 : i32 to vector<16xi32>
      %mul3A_92 = arith.muli %gather3A_89, %mul3A_91 : vector<16xi32>
      %mul3A_93 = arith.constant 8 : i32
      %mul3A_94 = vector.broadcast %mul3A_93 : i32 to vector<16xi32>
      %mul3A_95 = arith.muli %add3A_84, %mul3A_94 : vector<16xi32>
      %add3A_96 = arith.constant 0 : i32
      %add3A_97 = vector.broadcast %add3A_96 : i32 to vector<16xi32>
      %add3A_98 = arith.addi %mul3A_92, %add3A_97 : vector<16xi32>
      %gather3A_99 = tpu.vector_load_idx %arg5[%add3A_98] : memref<50176xf32, #tpu.memory_space<vmem>>[vector<16xi32>], vector<16xf32>,
      %add3A_100 = arith.constant 0 : i32
      %add3A_101 = vector.broadcast %add3A_100 : i32 to vector<16xi32>
      %add3A_102 = arith.addi %mul3A_95, %add3A_101 : vector<16xi32>
      tpu.vector_store_idx %arg7[%add3A_102], %gather3A_99 : memref<1024xf32, #tpu.memory_space<vmem>>[vector<16xi32>], vector<16xf32>,
      %add3A_103 = arith.constant 1 : i32
      %add3A_104 = vector.broadcast %add3A_103 : i32 to vector<16xi32>
      %add3A_105 = arith.addi %mul3A_92, %add3A_104 : vector<16xi32>
      %gather3A_106 = tpu.vector_load_idx %arg5[%add3A_105] : memref<50176xf32, #tpu.memory_space<vmem>>[vector<16xi32>], vector<16xf32>,
      %add3A_107 = arith.constant 1 : i32
      %add3A_108 = vector.broadcast %add3A_107 : i32 to vector<16xi32>
      %add3A_109 = arith.addi %mul3A_95, %add3A_108 : vector<16xi32>
      tpu.vector_store_idx %arg7[%add3A_109], %gather3A_106 : memref<1024xf32, #tpu.memory_space<vmem>>[vector<16xi32>], vector<16xf32>,
      %add3A_110 = arith.constant 2 : i32
      %add3A_111 = vector.broadcast %add3A_110 : i32 to vector<16xi32>
      %add3A_112 = arith.addi %mul3A_92, %add3A_111 : vector<16xi32>
      %gather3A_113 = tpu.vector_load_idx %arg5[%add3A_112] : memref<50176xf32, #tpu.memory_space<vmem>>[vector<16xi32>], vector<16xf32>,
      %add3A_114 = arith.constant 2 : i32
      %add3A_115 = vector.broadcast %add3A_114 : i32 to vector<16xi32>
      %add3A_116 = arith.addi %mul3A_95, %add3A_115 : vector<16xi32>
      tpu.vector_store_idx %arg7[%add3A_116], %gather3A_113 : memref<1024xf32, #tpu.memory_space<vmem>>[vector<16xi32>], vector<16xf32>,
      %add3A_117 = arith.constant 3 : i32
      %add3A_118 = vector.broadcast %add3A_117 : i32 to vector<16xi32>
      %add3A_119 = arith.addi %mul3A_92, %add3A_118 : vector<16xi32>
      %gather3A_120 = tpu.vector_load_idx %arg5[%add3A_119] : memref<50176xf32, #tpu.memory_space<vmem>>[vector<16xi32>], vector<16xf32>,
      %add3A_121 = arith.constant 3 : i32
      %add3A_122 = vector.broadcast %add3A_121 : i32 to vector<16xi32>
      %add3A_123 = arith.addi %mul3A_95, %add3A_122 : vector<16xi32>
      tpu.vector_store_idx %arg7[%add3A_123], %gather3A_120 : memref<1024xf32, #tpu.memory_space<vmem>>[vector<16xi32>], vector<16xf32>,
      %add3A_124 = arith.constant 4 : i32
      %add3A_125 = vector.broadcast %add3A_124 : i32 to vector<16xi32>
      %add3A_126 = arith.addi %mul3A_92, %add3A_125 : vector<16xi32>
      %gather3A_127 = tpu.vector_load_idx %arg5[%add3A_126] : memref<50176xf32, #tpu.memory_space<vmem>>[vector<16xi32>], vector<16xf32>,
      %add3A_128 = arith.constant 4 : i32
      %add3A_129 = vector.broadcast %add3A_128 : i32 to vector<16xi32>
      %add3A_130 = arith.addi %mul3A_95, %add3A_129 : vector<16xi32>
      tpu.vector_store_idx %arg7[%add3A_130], %gather3A_127 : memref<1024xf32, #tpu.memory_space<vmem>>[vector<16xi32>], vector<16xf32>,
      %add3A_131 = arith.constant 5 : i32
      %add3A_132 = vector.broadcast %add3A_131 : i32 to vector<16xi32>
      %add3A_133 = arith.addi %mul3A_92, %add3A_132 : vector<16xi32>
      %gather3A_134 = tpu.vector_load_idx %arg5[%add3A_133] : memref<50176xf32, #tpu.memory_space<vmem>>[vector<16xi32>], vector<16xf32>,
      %add3A_135 = arith.constant 5 : i32
      %add3A_136 = vector.broadcast %add3A_135 : i32 to vector<16xi32>
      %add3A_137 = arith.addi %mul3A_95, %add3A_136 : vector<16xi32>
      tpu.vector_store_idx %arg7[%add3A_137], %gather3A_134 : memref<1024xf32, #tpu.memory_space<vmem>>[vector<16xi32>], vector<16xf32>,
      %add3A_138 = arith.constant 6 : i32
      %add3A_139 = vector.broadcast %add3A_138 : i32 to vector<16xi32>
      %add3A_140 = arith.addi %mul3A_92, %add3A_139 : vector<16xi32>
      %gather3A_141 = tpu.vector_load_idx %arg5[%add3A_140] : memref<50176xf32, #tpu.memory_space<vmem>>[vector<16xi32>], vector<16xf32>,
      %add3A_142 = arith.constant 6 : i32
      %add3A_143 = vector.broadcast %add3A_142 : i32 to vector<16xi32>
      %add3A_144 = arith.addi %mul3A_95, %add3A_143 : vector<16xi32>
      tpu.vector_store_idx %arg7[%add3A_144], %gather3A_141 : memref<1024xf32, #tpu.memory_space<vmem>>[vector<16xi32>], vector<16xf32>,
      %add3A_145 = arith.constant 7 : i32
      %add3A_146 = vector.broadcast %add3A_145 : i32 to vector<16xi32>
      %add3A_147 = arith.addi %mul3A_92, %add3A_146 : vector<16xi32>
      %gather3A_148 = tpu.vector_load_idx %arg5[%add3A_147] : memref<50176xf32, #tpu.memory_space<vmem>>[vector<16xi32>], vector<16xf32>,
      %add3A_149 = arith.constant 7 : i32
      %add3A_150 = vector.broadcast %add3A_149 : i32 to vector<16xi32>
      %add3A_151 = arith.addi %mul3A_95, %add3A_150 : vector<16xi32>
      tpu.vector_store_idx %arg7[%add3A_151], %gather3A_148 : memref<1024xf32, #tpu.memory_space<vmem>>[vector<16xi32>], vector<16xf32>,
      %add3A_152 = arith.constant 32 : i32
      %add3A_153 = vector.broadcast %add3A_152 : i32 to vector<16xi32>
      %add3A_154 = arith.addi %iota3A, %add3A_153 : vector<16xi32>
      %mul3A_155 = arith.constant 128 : i32
      %mul3A_156 = arith.muli %scan3A_12, %mul3A_155 : i32
      %add3A_157 = vector.broadcast %mul3A_156 : i32 to vector<16xi32>
      %add3A_158 = arith.addi %add3A_157, %add3A_154 : vector<16xi32>
      %gather3A_159 = tpu.vector_load_idx %arg6[%add3A_158] : memref<2048xi32, #tpu.memory_space<vmem>>[vector<16xi32>], vector<16xi32>,
      %mul3A_160 = arith.constant 8 : i32
      %mul3A_161 = vector.broadcast %mul3A_160 : i32 to vector<16xi32>
      %mul3A_162 = arith.muli %gather3A_159, %mul3A_161 : vector<16xi32>
      %mul3A_163 = arith.constant 8 : i32
      %mul3A_164 = vector.broadcast %mul3A_163 : i32 to vector<16xi32>
      %mul3A_165 = arith.muli %add3A_154, %mul3A_164 : vector<16xi32>
      %add3A_166 = arith.constant 0 : i32
      %add3A_167 = vector.broadcast %add3A_166 : i32 to vector<16xi32>
      %add3A_168 = arith.addi %mul3A_162, %add3A_167 : vector<16xi32>
      %gather3A_169 = tpu.vector_load_idx %arg5[%add3A_168] : memref<50176xf32, #tpu.memory_space<vmem>>[vector<16xi32>], vector<16xf32>,
      %add3A_170 = arith.constant 0 : i32
      %add3A_171 = vector.broadcast %add3A_170 : i32 to vector<16xi32>
      %add3A_172 = arith.addi %mul3A_165, %add3A_171 : vector<16xi32>
      tpu.vector_store_idx %arg7[%add3A_172], %gather3A_169 : memref<1024xf32, #tpu.memory_space<vmem>>[vector<16xi32>], vector<16xf32>,
      %add3A_173 = arith.constant 1 : i32
      %add3A_174 = vector.broadcast %add3A_173 : i32 to vector<16xi32>
      %add3A_175 = arith.addi %mul3A_162, %add3A_174 : vector<16xi32>
      %gather3A_176 = tpu.vector_load_idx %arg5[%add3A_175] : memref<50176xf32, #tpu.memory_space<vmem>>[vector<16xi32>], vector<16xf32>,
      %add3A_177 = arith.constant 1 : i32
      %add3A_178 = vector.broadcast %add3A_177 : i32 to vector<16xi32>
      %add3A_179 = arith.addi %mul3A_165, %add3A_178 : vector<16xi32>
      tpu.vector_store_idx %arg7[%add3A_179], %gather3A_176 : memref<1024xf32, #tpu.memory_space<vmem>>[vector<16xi32>], vector<16xf32>,
      %add3A_180 = arith.constant 2 : i32
      %add3A_181 = vector.broadcast %add3A_180 : i32 to vector<16xi32>
      %add3A_182 = arith.addi %mul3A_162, %add3A_181 : vector<16xi32>
      %gather3A_183 = tpu.vector_load_idx %arg5[%add3A_182] : memref<50176xf32, #tpu.memory_space<vmem>>[vector<16xi32>], vector<16xf32>,
      %add3A_184 = arith.constant 2 : i32
      %add3A_185 = vector.broadcast %add3A_184 : i32 to vector<16xi32>
      %add3A_186 = arith.addi %mul3A_165, %add3A_185 : vector<16xi32>
      tpu.vector_store_idx %arg7[%add3A_186], %gather3A_183 : memref<1024xf32, #tpu.memory_space<vmem>>[vector<16xi32>], vector<16xf32>,
      %add3A_187 = arith.constant 3 : i32
      %add3A_188 = vector.broadcast %add3A_187 : i32 to vector<16xi32>
      %add3A_189 = arith.addi %mul3A_162, %add3A_188 : vector<16xi32>
      %gather3A_190 = tpu.vector_load_idx %arg5[%add3A_189] : memref<50176xf32, #tpu.memory_space<vmem>>[vector<16xi32>], vector<16xf32>,
      %add3A_191 = arith.constant 3 : i32
      %add3A_192 = vector.broadcast %add3A_191 : i32 to vector<16xi32>
      %add3A_193 = arith.addi %mul3A_165, %add3A_192 : vector<16xi32>
      tpu.vector_store_idx %arg7[%add3A_193], %gather3A_190 : memref<1024xf32, #tpu.memory_space<vmem>>[vector<16xi32>], vector<16xf32>,
      %add3A_194 = arith.constant 4 : i32
      %add3A_195 = vector.broadcast %add3A_194 : i32 to vector<16xi32>
      %add3A_196 = arith.addi %mul3A_162, %add3A_195 : vector<16xi32>
      %gather3A_197 = tpu.vector_load_idx %arg5[%add3A_196] : memref<50176xf32, #tpu.memory_space<vmem>>[vector<16xi32>], vector<16xf32>,
      %add3A_198 = arith.constant 4 : i32
      %add3A_199 = vector.broadcast %add3A_198 : i32 to vector<16xi32>
      %add3A_200 = arith.addi %mul3A_165, %add3A_199 : vector<16xi32>
      tpu.vector_store_idx %arg7[%add3A_200], %gather3A_197 : memref<1024xf32, #tpu.memory_space<vmem>>[vector<16xi32>], vector<16xf32>,
      %add3A_201 = arith.constant 5 : i32
      %add3A_202 = vector.broadcast %add3A_201 : i32 to vector<16xi32>
      %add3A_203 = arith.addi %mul3A_162, %add3A_202 : vector<16xi32>
      %gather3A_204 = tpu.vector_load_idx %arg5[%add3A_203] : memref<50176xf32, #tpu.memory_space<vmem>>[vector<16xi32>], vector<16xf32>,
      %add3A_205 = arith.constant 5 : i32
      %add3A_206 = vector.broadcast %add3A_205 : i32 to vector<16xi32>
      %add3A_207 = arith.addi %mul3A_165, %add3A_206 : vector<16xi32>
      tpu.vector_store_idx %arg7[%add3A_207], %gather3A_204 : memref<1024xf32, #tpu.memory_space<vmem>>[vector<16xi32>], vector<16xf32>,
      %add3A_208 = arith.constant 6 : i32
      %add3A_209 = vector.broadcast %add3A_208 : i32 to vector<16xi32>
      %add3A_210 = arith.addi %mul3A_162, %add3A_209 : vector<16xi32>
      %gather3A_211 = tpu.vector_load_idx %arg5[%add3A_210] : memref<50176xf32, #tpu.memory_space<vmem>>[vector<16xi32>], vector<16xf32>,
      %add3A_212 = arith.constant 6 : i32
      %add3A_213 = vector.broadcast %add3A_212 : i32 to vector<16xi32>
      %add3A_214 = arith.addi %mul3A_165, %add3A_213 : vector<16xi32>
      tpu.vector_store_idx %arg7[%add3A_214], %gather3A_211 : memref<1024xf32, #tpu.memory_space<vmem>>[vector<16xi32>], vector<16xf32>,
      %add3A_215 = arith.constant 7 : i32
      %add3A_216 = vector.broadcast %add3A_215 : i32 to vector<16xi32>
      %add3A_217 = arith.addi %mul3A_162, %add3A_216 : vector<16xi32>
      %gather3A_218 = tpu.vector_load_idx %arg5[%add3A_217] : memref<50176xf32, #tpu.memory_space<vmem>>[vector<16xi32>], vector<16xf32>,
      %add3A_219 = arith.constant 7 : i32
      %add3A_220 = vector.broadcast %add3A_219 : i32 to vector<16xi32>
      %add3A_221 = arith.addi %mul3A_165, %add3A_220 : vector<16xi32>
      tpu.vector_store_idx %arg7[%add3A_221], %gather3A_218 : memref<1024xf32, #tpu.memory_space<vmem>>[vector<16xi32>], vector<16xf32>,
      %add3A_222 = arith.constant 48 : i32
      %add3A_223 = vector.broadcast %add3A_222 : i32 to vector<16xi32>
      %add3A_224 = arith.addi %iota3A, %add3A_223 : vector<16xi32>
      %mul3A_225 = arith.constant 128 : i32
      %mul3A_226 = arith.muli %scan3A_12, %mul3A_225 : i32
      %add3A_227 = vector.broadcast %mul3A_226 : i32 to vector<16xi32>
      %add3A_228 = arith.addi %add3A_227, %add3A_224 : vector<16xi32>
      %gather3A_229 = tpu.vector_load_idx %arg6[%add3A_228] : memref<2048xi32, #tpu.memory_space<vmem>>[vector<16xi32>], vector<16xi32>,
      %mul3A_230 = arith.constant 8 : i32
      %mul3A_231 = vector.broadcast %mul3A_230 : i32 to vector<16xi32>
      %mul3A_232 = arith.muli %gather3A_229, %mul3A_231 : vector<16xi32>
      %mul3A_233 = arith.constant 8 : i32
      %mul3A_234 = vector.broadcast %mul3A_233 : i32 to vector<16xi32>
      %mul3A_235 = arith.muli %add3A_224, %mul3A_234 : vector<16xi32>
      %add3A_236 = arith.constant 0 : i32
      %add3A_237 = vector.broadcast %add3A_236 : i32 to vector<16xi32>
      %add3A_238 = arith.addi %mul3A_232, %add3A_237 : vector<16xi32>
      %gather3A_239 = tpu.vector_load_idx %arg5[%add3A_238] : memref<50176xf32, #tpu.memory_space<vmem>>[vector<16xi32>], vector<16xf32>,
      %add3A_240 = arith.constant 0 : i32
      %add3A_241 = vector.broadcast %add3A_240 : i32 to vector<16xi32>
      %add3A_242 = arith.addi %mul3A_235, %add3A_241 : vector<16xi32>
      tpu.vector_store_idx %arg7[%add3A_242], %gather3A_239 : memref<1024xf32, #tpu.memory_space<vmem>>[vector<16xi32>], vector<16xf32>,
      %add3A_243 = arith.constant 1 : i32
      %add3A_244 = vector.broadcast %add3A_243 : i32 to vector<16xi32>
      %add3A_245 = arith.addi %mul3A_232, %add3A_244 : vector<16xi32>
      %gather3A_246 = tpu.vector_load_idx %arg5[%add3A_245] : memref<50176xf32, #tpu.memory_space<vmem>>[vector<16xi32>], vector<16xf32>,
      %add3A_247 = arith.constant 1 : i32
      %add3A_248 = vector.broadcast %add3A_247 : i32 to vector<16xi32>
      %add3A_249 = arith.addi %mul3A_235, %add3A_248 : vector<16xi32>
      tpu.vector_store_idx %arg7[%add3A_249], %gather3A_246 : memref<1024xf32, #tpu.memory_space<vmem>>[vector<16xi32>], vector<16xf32>,
      %add3A_250 = arith.constant 2 : i32
      %add3A_251 = vector.broadcast %add3A_250 : i32 to vector<16xi32>
      %add3A_252 = arith.addi %mul3A_232, %add3A_251 : vector<16xi32>
      %gather3A_253 = tpu.vector_load_idx %arg5[%add3A_252] : memref<50176xf32, #tpu.memory_space<vmem>>[vector<16xi32>], vector<16xf32>,
      %add3A_254 = arith.constant 2 : i32
      %add3A_255 = vector.broadcast %add3A_254 : i32 to vector<16xi32>
      %add3A_256 = arith.addi %mul3A_235, %add3A_255 : vector<16xi32>
      tpu.vector_store_idx %arg7[%add3A_256], %gather3A_253 : memref<1024xf32, #tpu.memory_space<vmem>>[vector<16xi32>], vector<16xf32>,
      %add3A_257 = arith.constant 3 : i32
      %add3A_258 = vector.broadcast %add3A_257 : i32 to vector<16xi32>
      %add3A_259 = arith.addi %mul3A_232, %add3A_258 : vector<16xi32>
      %gather3A_260 = tpu.vector_load_idx %arg5[%add3A_259] : memref<50176xf32, #tpu.memory_space<vmem>>[vector<16xi32>], vector<16xf32>,
      %add3A_261 = arith.constant 3 : i32
      %add3A_262 = vector.broadcast %add3A_261 : i32 to vector<16xi32>
      %add3A_263 = arith.addi %mul3A_235, %add3A_262 : vector<16xi32>
      tpu.vector_store_idx %arg7[%add3A_263], %gather3A_260 : memref<1024xf32, #tpu.memory_space<vmem>>[vector<16xi32>], vector<16xf32>,
      %add3A_264 = arith.constant 4 : i32
      %add3A_265 = vector.broadcast %add3A_264 : i32 to vector<16xi32>
      %add3A_266 = arith.addi %mul3A_232, %add3A_265 : vector<16xi32>
      %gather3A_267 = tpu.vector_load_idx %arg5[%add3A_266] : memref<50176xf32, #tpu.memory_space<vmem>>[vector<16xi32>], vector<16xf32>,
      %add3A_268 = arith.constant 4 : i32
      %add3A_269 = vector.broadcast %add3A_268 : i32 to vector<16xi32>
      %add3A_270 = arith.addi %mul3A_235, %add3A_269 : vector<16xi32>
      tpu.vector_store_idx %arg7[%add3A_270], %gather3A_267 : memref<1024xf32, #tpu.memory_space<vmem>>[vector<16xi32>], vector<16xf32>,
      %add3A_271 = arith.constant 5 : i32
      %add3A_272 = vector.broadcast %add3A_271 : i32 to vector<16xi32>
      %add3A_273 = arith.addi %mul3A_232, %add3A_272 : vector<16xi32>
      %gather3A_274 = tpu.vector_load_idx %arg5[%add3A_273] : memref<50176xf32, #tpu.memory_space<vmem>>[vector<16xi32>], vector<16xf32>,
      %add3A_275 = arith.constant 5 : i32
      %add3A_276 = vector.broadcast %add3A_275 : i32 to vector<16xi32>
      %add3A_277 = arith.addi %mul3A_235, %add3A_276 : vector<16xi32>
      tpu.vector_store_idx %arg7[%add3A_277], %gather3A_274 : memref<1024xf32, #tpu.memory_space<vmem>>[vector<16xi32>], vector<16xf32>,
      %add3A_278 = arith.constant 6 : i32
      %add3A_279 = vector.broadcast %add3A_278 : i32 to vector<16xi32>
      %add3A_280 = arith.addi %mul3A_232, %add3A_279 : vector<16xi32>
      %gather3A_281 = tpu.vector_load_idx %arg5[%add3A_280] : memref<50176xf32, #tpu.memory_space<vmem>>[vector<16xi32>], vector<16xf32>,
      %add3A_282 = arith.constant 6 : i32
      %add3A_283 = vector.broadcast %add3A_282 : i32 to vector<16xi32>
      %add3A_284 = arith.addi %mul3A_235, %add3A_283 : vector<16xi32>
      tpu.vector_store_idx %arg7[%add3A_284], %gather3A_281 : memref<1024xf32, #tpu.memory_space<vmem>>[vector<16xi32>], vector<16xf32>,
      %add3A_285 = arith.constant 7 : i32
      %add3A_286 = vector.broadcast %add3A_285 : i32 to vector<16xi32>
      %add3A_287 = arith.addi %mul3A_232, %add3A_286 : vector<16xi32>
      %gather3A_288 = tpu.vector_load_idx %arg5[%add3A_287] : memref<50176xf32, #tpu.memory_space<vmem>>[vector<16xi32>], vector<16xf32>,
      %add3A_289 = arith.constant 7 : i32
      %add3A_290 = vector.broadcast %add3A_289 : i32 to vector<16xi32>
      %add3A_291 = arith.addi %mul3A_235, %add3A_290 : vector<16xi32>
      tpu.vector_store_idx %arg7[%add3A_291], %gather3A_288 : memref<1024xf32, #tpu.memory_space<vmem>>[vector<16xi32>], vector<16xf32>,
      %add3A_292 = arith.constant 64 : i32
      %add3A_293 = vector.broadcast %add3A_292 : i32 to vector<16xi32>
      %add3A_294 = arith.addi %iota3A, %add3A_293 : vector<16xi32>
      %mul3A_295 = arith.constant 128 : i32
      %mul3A_296 = arith.muli %scan3A_12, %mul3A_295 : i32
      %add3A_297 = vector.broadcast %mul3A_296 : i32 to vector<16xi32>
      %add3A_298 = arith.addi %add3A_297, %add3A_294 : vector<16xi32>
      %gather3A_299 = tpu.vector_load_idx %arg6[%add3A_298] : memref<2048xi32, #tpu.memory_space<vmem>>[vector<16xi32>], vector<16xi32>,
      %mul3A_300 = arith.constant 8 : i32
      %mul3A_301 = vector.broadcast %mul3A_300 : i32 to vector<16xi32>
      %mul3A_302 = arith.muli %gather3A_299, %mul3A_301 : vector<16xi32>
      %mul3A_303 = arith.constant 8 : i32
      %mul3A_304 = vector.broadcast %mul3A_303 : i32 to vector<16xi32>
      %mul3A_305 = arith.muli %add3A_294, %mul3A_304 : vector<16xi32>
      %add3A_306 = arith.constant 0 : i32
      %add3A_307 = vector.broadcast %add3A_306 : i32 to vector<16xi32>
      %add3A_308 = arith.addi %mul3A_302, %add3A_307 : vector<16xi32>
      %gather3A_309 = tpu.vector_load_idx %arg5[%add3A_308] : memref<50176xf32, #tpu.memory_space<vmem>>[vector<16xi32>], vector<16xf32>,
      %add3A_310 = arith.constant 0 : i32
      %add3A_311 = vector.broadcast %add3A_310 : i32 to vector<16xi32>
      %add3A_312 = arith.addi %mul3A_305, %add3A_311 : vector<16xi32>
      tpu.vector_store_idx %arg7[%add3A_312], %gather3A_309 : memref<1024xf32, #tpu.memory_space<vmem>>[vector<16xi32>], vector<16xf32>,
      %add3A_313 = arith.constant 1 : i32
      %add3A_314 = vector.broadcast %add3A_313 : i32 to vector<16xi32>
      %add3A_315 = arith.addi %mul3A_302, %add3A_314 : vector<16xi32>
      %gather3A_316 = tpu.vector_load_idx %arg5[%add3A_315] : memref<50176xf32, #tpu.memory_space<vmem>>[vector<16xi32>], vector<16xf32>,
      %add3A_317 = arith.constant 1 : i32
      %add3A_318 = vector.broadcast %add3A_317 : i32 to vector<16xi32>
      %add3A_319 = arith.addi %mul3A_305, %add3A_318 : vector<16xi32>
      tpu.vector_store_idx %arg7[%add3A_319], %gather3A_316 : memref<1024xf32, #tpu.memory_space<vmem>>[vector<16xi32>], vector<16xf32>,
      %add3A_320 = arith.constant 2 : i32
      %add3A_321 = vector.broadcast %add3A_320 : i32 to vector<16xi32>
      %add3A_322 = arith.addi %mul3A_302, %add3A_321 : vector<16xi32>
      %gather3A_323 = tpu.vector_load_idx %arg5[%add3A_322] : memref<50176xf32, #tpu.memory_space<vmem>>[vector<16xi32>], vector<16xf32>,
      %add3A_324 = arith.constant 2 : i32
      %add3A_325 = vector.broadcast %add3A_324 : i32 to vector<16xi32>
      %add3A_326 = arith.addi %mul3A_305, %add3A_325 : vector<16xi32>
      tpu.vector_store_idx %arg7[%add3A_326], %gather3A_323 : memref<1024xf32, #tpu.memory_space<vmem>>[vector<16xi32>], vector<16xf32>,
      %add3A_327 = arith.constant 3 : i32
      %add3A_328 = vector.broadcast %add3A_327 : i32 to vector<16xi32>
      %add3A_329 = arith.addi %mul3A_302, %add3A_328 : vector<16xi32>
      %gather3A_330 = tpu.vector_load_idx %arg5[%add3A_329] : memref<50176xf32, #tpu.memory_space<vmem>>[vector<16xi32>], vector<16xf32>,
      %add3A_331 = arith.constant 3 : i32
      %add3A_332 = vector.broadcast %add3A_331 : i32 to vector<16xi32>
      %add3A_333 = arith.addi %mul3A_305, %add3A_332 : vector<16xi32>
      tpu.vector_store_idx %arg7[%add3A_333], %gather3A_330 : memref<1024xf32, #tpu.memory_space<vmem>>[vector<16xi32>], vector<16xf32>,
      %add3A_334 = arith.constant 4 : i32
      %add3A_335 = vector.broadcast %add3A_334 : i32 to vector<16xi32>
      %add3A_336 = arith.addi %mul3A_302, %add3A_335 : vector<16xi32>
      %gather3A_337 = tpu.vector_load_idx %arg5[%add3A_336] : memref<50176xf32, #tpu.memory_space<vmem>>[vector<16xi32>], vector<16xf32>,
      %add3A_338 = arith.constant 4 : i32
      %add3A_339 = vector.broadcast %add3A_338 : i32 to vector<16xi32>
      %add3A_340 = arith.addi %mul3A_305, %add3A_339 : vector<16xi32>
      tpu.vector_store_idx %arg7[%add3A_340], %gather3A_337 : memref<1024xf32, #tpu.memory_space<vmem>>[vector<16xi32>], vector<16xf32>,
      %add3A_341 = arith.constant 5 : i32
      %add3A_342 = vector.broadcast %add3A_341 : i32 to vector<16xi32>
      %add3A_343 = arith.addi %mul3A_302, %add3A_342 : vector<16xi32>
      %gather3A_344 = tpu.vector_load_idx %arg5[%add3A_343] : memref<50176xf32, #tpu.memory_space<vmem>>[vector<16xi32>], vector<16xf32>,
      %add3A_345 = arith.constant 5 : i32
      %add3A_346 = vector.broadcast %add3A_345 : i32 to vector<16xi32>
      %add3A_347 = arith.addi %mul3A_305, %add3A_346 : vector<16xi32>
      tpu.vector_store_idx %arg7[%add3A_347], %gather3A_344 : memref<1024xf32, #tpu.memory_space<vmem>>[vector<16xi32>], vector<16xf32>,
      %add3A_348 = arith.constant 6 : i32
      %add3A_349 = vector.broadcast %add3A_348 : i32 to vector<16xi32>
      %add3A_350 = arith.addi %mul3A_302, %add3A_349 : vector<16xi32>
      %gather3A_351 = tpu.vector_load_idx %arg5[%add3A_350] : memref<50176xf32, #tpu.memory_space<vmem>>[vector<16xi32>], vector<16xf32>,
      %add3A_352 = arith.constant 6 : i32
      %add3A_353 = vector.broadcast %add3A_352 : i32 to vector<16xi32>
      %add3A_354 = arith.addi %mul3A_305, %add3A_353 : vector<16xi32>
      tpu.vector_store_idx %arg7[%add3A_354], %gather3A_351 : memref<1024xf32, #tpu.memory_space<vmem>>[vector<16xi32>], vector<16xf32>,
      %add3A_355 = arith.constant 7 : i32
      %add3A_356 = vector.broadcast %add3A_355 : i32 to vector<16xi32>
      %add3A_357 = arith.addi %mul3A_302, %add3A_356 : vector<16xi32>
      %gather3A_358 = tpu.vector_load_idx %arg5[%add3A_357] : memref<50176xf32, #tpu.memory_space<vmem>>[vector<16xi32>], vector<16xf32>,
      %add3A_359 = arith.constant 7 : i32
      %add3A_360 = vector.broadcast %add3A_359 : i32 to vector<16xi32>
      %add3A_361 = arith.addi %mul3A_305, %add3A_360 : vector<16xi32>
      tpu.vector_store_idx %arg7[%add3A_361], %gather3A_358 : memref<1024xf32, #tpu.memory_space<vmem>>[vector<16xi32>], vector<16xf32>,
      %add3A_362 = arith.constant 80 : i32
      %add3A_363 = vector.broadcast %add3A_362 : i32 to vector<16xi32>
      %add3A_364 = arith.addi %iota3A, %add3A_363 : vector<16xi32>
      %mul3A_365 = arith.constant 128 : i32
      %mul3A_366 = arith.muli %scan3A_12, %mul3A_365 : i32
      %add3A_367 = vector.broadcast %mul3A_366 : i32 to vector<16xi32>
      %add3A_368 = arith.addi %add3A_367, %add3A_364 : vector<16xi32>
      %gather3A_369 = tpu.vector_load_idx %arg6[%add3A_368] : memref<2048xi32, #tpu.memory_space<vmem>>[vector<16xi32>], vector<16xi32>,
      %mul3A_370 = arith.constant 8 : i32
      %mul3A_371 = vector.broadcast %mul3A_370 : i32 to vector<16xi32>
      %mul3A_372 = arith.muli %gather3A_369, %mul3A_371 : vector<16xi32>
      %mul3A_373 = arith.constant 8 : i32
      %mul3A_374 = vector.broadcast %mul3A_373 : i32 to vector<16xi32>
      %mul3A_375 = arith.muli %add3A_364, %mul3A_374 : vector<16xi32>
      %add3A_376 = arith.constant 0 : i32
      %add3A_377 = vector.broadcast %add3A_376 : i32 to vector<16xi32>
      %add3A_378 = arith.addi %mul3A_372, %add3A_377 : vector<16xi32>
      %gather3A_379 = tpu.vector_load_idx %arg5[%add3A_378] : memref<50176xf32, #tpu.memory_space<vmem>>[vector<16xi32>], vector<16xf32>,
      %add3A_380 = arith.constant 0 : i32
      %add3A_381 = vector.broadcast %add3A_380 : i32 to vector<16xi32>
      %add3A_382 = arith.addi %mul3A_375, %add3A_381 : vector<16xi32>
      tpu.vector_store_idx %arg7[%add3A_382], %gather3A_379 : memref<1024xf32, #tpu.memory_space<vmem>>[vector<16xi32>], vector<16xf32>,
      %add3A_383 = arith.constant 1 : i32
      %add3A_384 = vector.broadcast %add3A_383 : i32 to vector<16xi32>
      %add3A_385 = arith.addi %mul3A_372, %add3A_384 : vector<16xi32>
      %gather3A_386 = tpu.vector_load_idx %arg5[%add3A_385] : memref<50176xf32, #tpu.memory_space<vmem>>[vector<16xi32>], vector<16xf32>,
      %add3A_387 = arith.constant 1 : i32
      %add3A_388 = vector.broadcast %add3A_387 : i32 to vector<16xi32>
      %add3A_389 = arith.addi %mul3A_375, %add3A_388 : vector<16xi32>
      tpu.vector_store_idx %arg7[%add3A_389], %gather3A_386 : memref<1024xf32, #tpu.memory_space<vmem>>[vector<16xi32>], vector<16xf32>,
      %add3A_390 = arith.constant 2 : i32
      %add3A_391 = vector.broadcast %add3A_390 : i32 to vector<16xi32>
      %add3A_392 = arith.addi %mul3A_372, %add3A_391 : vector<16xi32>
      %gather3A_393 = tpu.vector_load_idx %arg5[%add3A_392] : memref<50176xf32, #tpu.memory_space<vmem>>[vector<16xi32>], vector<16xf32>,
      %add3A_394 = arith.constant 2 : i32
      %add3A_395 = vector.broadcast %add3A_394 : i32 to vector<16xi32>
      %add3A_396 = arith.addi %mul3A_375, %add3A_395 : vector<16xi32>
      tpu.vector_store_idx %arg7[%add3A_396], %gather3A_393 : memref<1024xf32, #tpu.memory_space<vmem>>[vector<16xi32>], vector<16xf32>,
      %add3A_397 = arith.constant 3 : i32
      %add3A_398 = vector.broadcast %add3A_397 : i32 to vector<16xi32>
      %add3A_399 = arith.addi %mul3A_372, %add3A_398 : vector<16xi32>
      %gather3A_400 = tpu.vector_load_idx %arg5[%add3A_399] : memref<50176xf32, #tpu.memory_space<vmem>>[vector<16xi32>], vector<16xf32>,
      %add3A_401 = arith.constant 3 : i32
      %add3A_402 = vector.broadcast %add3A_401 : i32 to vector<16xi32>
      %add3A_403 = arith.addi %mul3A_375, %add3A_402 : vector<16xi32>
      tpu.vector_store_idx %arg7[%add3A_403], %gather3A_400 : memref<1024xf32, #tpu.memory_space<vmem>>[vector<16xi32>], vector<16xf32>,
      %add3A_404 = arith.constant 4 : i32
      %add3A_405 = vector.broadcast %add3A_404 : i32 to vector<16xi32>
      %add3A_406 = arith.addi %mul3A_372, %add3A_405 : vector<16xi32>
      %gather3A_407 = tpu.vector_load_idx %arg5[%add3A_406] : memref<50176xf32, #tpu.memory_space<vmem>>[vector<16xi32>], vector<16xf32>,
      %add3A_408 = arith.constant 4 : i32
      %add3A_409 = vector.broadcast %add3A_408 : i32 to vector<16xi32>
      %add3A_410 = arith.addi %mul3A_375, %add3A_409 : vector<16xi32>
      tpu.vector_store_idx %arg7[%add3A_410], %gather3A_407 : memref<1024xf32, #tpu.memory_space<vmem>>[vector<16xi32>], vector<16xf32>,
      %add3A_411 = arith.constant 5 : i32
      %add3A_412 = vector.broadcast %add3A_411 : i32 to vector<16xi32>
      %add3A_413 = arith.addi %mul3A_372, %add3A_412 : vector<16xi32>
      %gather3A_414 = tpu.vector_load_idx %arg5[%add3A_413] : memref<50176xf32, #tpu.memory_space<vmem>>[vector<16xi32>], vector<16xf32>,
      %add3A_415 = arith.constant 5 : i32
      %add3A_416 = vector.broadcast %add3A_415 : i32 to vector<16xi32>
      %add3A_417 = arith.addi %mul3A_375, %add3A_416 : vector<16xi32>
      tpu.vector_store_idx %arg7[%add3A_417], %gather3A_414 : memref<1024xf32, #tpu.memory_space<vmem>>[vector<16xi32>], vector<16xf32>,
      %add3A_418 = arith.constant 6 : i32
      %add3A_419 = vector.broadcast %add3A_418 : i32 to vector<16xi32>
      %add3A_420 = arith.addi %mul3A_372, %add3A_419 : vector<16xi32>
      %gather3A_421 = tpu.vector_load_idx %arg5[%add3A_420] : memref<50176xf32, #tpu.memory_space<vmem>>[vector<16xi32>], vector<16xf32>,
      %add3A_422 = arith.constant 6 : i32
      %add3A_423 = vector.broadcast %add3A_422 : i32 to vector<16xi32>
      %add3A_424 = arith.addi %mul3A_375, %add3A_423 : vector<16xi32>
      tpu.vector_store_idx %arg7[%add3A_424], %gather3A_421 : memref<1024xf32, #tpu.memory_space<vmem>>[vector<16xi32>], vector<16xf32>,
      %add3A_425 = arith.constant 7 : i32
      %add3A_426 = vector.broadcast %add3A_425 : i32 to vector<16xi32>
      %add3A_427 = arith.addi %mul3A_372, %add3A_426 : vector<16xi32>
      %gather3A_428 = tpu.vector_load_idx %arg5[%add3A_427] : memref<50176xf32, #tpu.memory_space<vmem>>[vector<16xi32>], vector<16xf32>,
      %add3A_429 = arith.constant 7 : i32
      %add3A_430 = vector.broadcast %add3A_429 : i32 to vector<16xi32>
      %add3A_431 = arith.addi %mul3A_375, %add3A_430 : vector<16xi32>
      tpu.vector_store_idx %arg7[%add3A_431], %gather3A_428 : memref<1024xf32, #tpu.memory_space<vmem>>[vector<16xi32>], vector<16xf32>,
      %add3A_432 = arith.constant 96 : i32
      %add3A_433 = vector.broadcast %add3A_432 : i32 to vector<16xi32>
      %add3A_434 = arith.addi %iota3A, %add3A_433 : vector<16xi32>
      %mul3A_435 = arith.constant 128 : i32
      %mul3A_436 = arith.muli %scan3A_12, %mul3A_435 : i32
      %add3A_437 = vector.broadcast %mul3A_436 : i32 to vector<16xi32>
      %add3A_438 = arith.addi %add3A_437, %add3A_434 : vector<16xi32>
      %gather3A_439 = tpu.vector_load_idx %arg6[%add3A_438] : memref<2048xi32, #tpu.memory_space<vmem>>[vector<16xi32>], vector<16xi32>,
      %mul3A_440 = arith.constant 8 : i32
      %mul3A_441 = vector.broadcast %mul3A_440 : i32 to vector<16xi32>
      %mul3A_442 = arith.muli %gather3A_439, %mul3A_441 : vector<16xi32>
      %mul3A_443 = arith.constant 8 : i32
      %mul3A_444 = vector.broadcast %mul3A_443 : i32 to vector<16xi32>
      %mul3A_445 = arith.muli %add3A_434, %mul3A_444 : vector<16xi32>
      %add3A_446 = arith.constant 0 : i32
      %add3A_447 = vector.broadcast %add3A_446 : i32 to vector<16xi32>
      %add3A_448 = arith.addi %mul3A_442, %add3A_447 : vector<16xi32>
      %gather3A_449 = tpu.vector_load_idx %arg5[%add3A_448] : memref<50176xf32, #tpu.memory_space<vmem>>[vector<16xi32>], vector<16xf32>,
      %add3A_450 = arith.constant 0 : i32
      %add3A_451 = vector.broadcast %add3A_450 : i32 to vector<16xi32>
      %add3A_452 = arith.addi %mul3A_445, %add3A_451 : vector<16xi32>
      tpu.vector_store_idx %arg7[%add3A_452], %gather3A_449 : memref<1024xf32, #tpu.memory_space<vmem>>[vector<16xi32>], vector<16xf32>,
      %add3A_453 = arith.constant 1 : i32
      %add3A_454 = vector.broadcast %add3A_453 : i32 to vector<16xi32>
      %add3A_455 = arith.addi %mul3A_442, %add3A_454 : vector<16xi32>
      %gather3A_456 = tpu.vector_load_idx %arg5[%add3A_455] : memref<50176xf32, #tpu.memory_space<vmem>>[vector<16xi32>], vector<16xf32>,
      %add3A_457 = arith.constant 1 : i32
      %add3A_458 = vector.broadcast %add3A_457 : i32 to vector<16xi32>
      %add3A_459 = arith.addi %mul3A_445, %add3A_458 : vector<16xi32>
      tpu.vector_store_idx %arg7[%add3A_459], %gather3A_456 : memref<1024xf32, #tpu.memory_space<vmem>>[vector<16xi32>], vector<16xf32>,
      %add3A_460 = arith.constant 2 : i32
      %add3A_461 = vector.broadcast %add3A_460 : i32 to vector<16xi32>
      %add3A_462 = arith.addi %mul3A_442, %add3A_461 : vector<16xi32>
      %gather3A_463 = tpu.vector_load_idx %arg5[%add3A_462] : memref<50176xf32, #tpu.memory_space<vmem>>[vector<16xi32>], vector<16xf32>,
      %add3A_464 = arith.constant 2 : i32
      %add3A_465 = vector.broadcast %add3A_464 : i32 to vector<16xi32>
      %add3A_466 = arith.addi %mul3A_445, %add3A_465 : vector<16xi32>
      tpu.vector_store_idx %arg7[%add3A_466], %gather3A_463 : memref<1024xf32, #tpu.memory_space<vmem>>[vector<16xi32>], vector<16xf32>,
      %add3A_467 = arith.constant 3 : i32
      %add3A_468 = vector.broadcast %add3A_467 : i32 to vector<16xi32>
      %add3A_469 = arith.addi %mul3A_442, %add3A_468 : vector<16xi32>
      %gather3A_470 = tpu.vector_load_idx %arg5[%add3A_469] : memref<50176xf32, #tpu.memory_space<vmem>>[vector<16xi32>], vector<16xf32>,
      %add3A_471 = arith.constant 3 : i32
      %add3A_472 = vector.broadcast %add3A_471 : i32 to vector<16xi32>
      %add3A_473 = arith.addi %mul3A_445, %add3A_472 : vector<16xi32>
      tpu.vector_store_idx %arg7[%add3A_473], %gather3A_470 : memref<1024xf32, #tpu.memory_space<vmem>>[vector<16xi32>], vector<16xf32>,
      %add3A_474 = arith.constant 4 : i32
      %add3A_475 = vector.broadcast %add3A_474 : i32 to vector<16xi32>
      %add3A_476 = arith.addi %mul3A_442, %add3A_475 : vector<16xi32>
      %gather3A_477 = tpu.vector_load_idx %arg5[%add3A_476] : memref<50176xf32, #tpu.memory_space<vmem>>[vector<16xi32>], vector<16xf32>,
      %add3A_478 = arith.constant 4 : i32
      %add3A_479 = vector.broadcast %add3A_478 : i32 to vector<16xi32>
      %add3A_480 = arith.addi %mul3A_445, %add3A_479 : vector<16xi32>
      tpu.vector_store_idx %arg7[%add3A_480], %gather3A_477 : memref<1024xf32, #tpu.memory_space<vmem>>[vector<16xi32>], vector<16xf32>,
      %add3A_481 = arith.constant 5 : i32
      %add3A_482 = vector.broadcast %add3A_481 : i32 to vector<16xi32>
      %add3A_483 = arith.addi %mul3A_442, %add3A_482 : vector<16xi32>
      %gather3A_484 = tpu.vector_load_idx %arg5[%add3A_483] : memref<50176xf32, #tpu.memory_space<vmem>>[vector<16xi32>], vector<16xf32>,
      %add3A_485 = arith.constant 5 : i32
      %add3A_486 = vector.broadcast %add3A_485 : i32 to vector<16xi32>
      %add3A_487 = arith.addi %mul3A_445, %add3A_486 : vector<16xi32>
      tpu.vector_store_idx %arg7[%add3A_487], %gather3A_484 : memref<1024xf32, #tpu.memory_space<vmem>>[vector<16xi32>], vector<16xf32>,
      %add3A_488 = arith.constant 6 : i32
      %add3A_489 = vector.broadcast %add3A_488 : i32 to vector<16xi32>
      %add3A_490 = arith.addi %mul3A_442, %add3A_489 : vector<16xi32>
      %gather3A_491 = tpu.vector_load_idx %arg5[%add3A_490] : memref<50176xf32, #tpu.memory_space<vmem>>[vector<16xi32>], vector<16xf32>,
      %add3A_492 = arith.constant 6 : i32
      %add3A_493 = vector.broadcast %add3A_492 : i32 to vector<16xi32>
      %add3A_494 = arith.addi %mul3A_445, %add3A_493 : vector<16xi32>
      tpu.vector_store_idx %arg7[%add3A_494], %gather3A_491 : memref<1024xf32, #tpu.memory_space<vmem>>[vector<16xi32>], vector<16xf32>,
      %add3A_495 = arith.constant 7 : i32
      %add3A_496 = vector.broadcast %add3A_495 : i32 to vector<16xi32>
      %add3A_497 = arith.addi %mul3A_442, %add3A_496 : vector<16xi32>
      %gather3A_498 = tpu.vector_load_idx %arg5[%add3A_497] : memref<50176xf32, #tpu.memory_space<vmem>>[vector<16xi32>], vector<16xf32>,
      %add3A_499 = arith.constant 7 : i32
      %add3A_500 = vector.broadcast %add3A_499 : i32 to vector<16xi32>
      %add3A_501 = arith.addi %mul3A_445, %add3A_500 : vector<16xi32>
      tpu.vector_store_idx %arg7[%add3A_501], %gather3A_498 : memref<1024xf32, #tpu.memory_space<vmem>>[vector<16xi32>], vector<16xf32>,
      %add3A_502 = arith.constant 112 : i32
      %add3A_503 = vector.broadcast %add3A_502 : i32 to vector<16xi32>
      %add3A_504 = arith.addi %iota3A, %add3A_503 : vector<16xi32>
      %mul3A_505 = arith.constant 128 : i32
      %mul3A_506 = arith.muli %scan3A_12, %mul3A_505 : i32
      %add3A_507 = vector.broadcast %mul3A_506 : i32 to vector<16xi32>
      %add3A_508 = arith.addi %add3A_507, %add3A_504 : vector<16xi32>
      %gather3A_509 = tpu.vector_load_idx %arg6[%add3A_508] : memref<2048xi32, #tpu.memory_space<vmem>>[vector<16xi32>], vector<16xi32>,
      %mul3A_510 = arith.constant 8 : i32
      %mul3A_511 = vector.broadcast %mul3A_510 : i32 to vector<16xi32>
      %mul3A_512 = arith.muli %gather3A_509, %mul3A_511 : vector<16xi32>
      %mul3A_513 = arith.constant 8 : i32
      %mul3A_514 = vector.broadcast %mul3A_513 : i32 to vector<16xi32>
      %mul3A_515 = arith.muli %add3A_504, %mul3A_514 : vector<16xi32>
      %add3A_516 = arith.constant 0 : i32
      %add3A_517 = vector.broadcast %add3A_516 : i32 to vector<16xi32>
      %add3A_518 = arith.addi %mul3A_512, %add3A_517 : vector<16xi32>
      %gather3A_519 = tpu.vector_load_idx %arg5[%add3A_518] : memref<50176xf32, #tpu.memory_space<vmem>>[vector<16xi32>], vector<16xf32>,
      %add3A_520 = arith.constant 0 : i32
      %add3A_521 = vector.broadcast %add3A_520 : i32 to vector<16xi32>
      %add3A_522 = arith.addi %mul3A_515, %add3A_521 : vector<16xi32>
      tpu.vector_store_idx %arg7[%add3A_522], %gather3A_519 : memref<1024xf32, #tpu.memory_space<vmem>>[vector<16xi32>], vector<16xf32>,
      %add3A_523 = arith.constant 1 : i32
      %add3A_524 = vector.broadcast %add3A_523 : i32 to vector<16xi32>
      %add3A_525 = arith.addi %mul3A_512, %add3A_524 : vector<16xi32>
      %gather3A_526 = tpu.vector_load_idx %arg5[%add3A_525] : memref<50176xf32, #tpu.memory_space<vmem>>[vector<16xi32>], vector<16xf32>,
      %add3A_527 = arith.constant 1 : i32
      %add3A_528 = vector.broadcast %add3A_527 : i32 to vector<16xi32>
      %add3A_529 = arith.addi %mul3A_515, %add3A_528 : vector<16xi32>
      tpu.vector_store_idx %arg7[%add3A_529], %gather3A_526 : memref<1024xf32, #tpu.memory_space<vmem>>[vector<16xi32>], vector<16xf32>,
      %add3A_530 = arith.constant 2 : i32
      %add3A_531 = vector.broadcast %add3A_530 : i32 to vector<16xi32>
      %add3A_532 = arith.addi %mul3A_512, %add3A_531 : vector<16xi32>
      %gather3A_533 = tpu.vector_load_idx %arg5[%add3A_532] : memref<50176xf32, #tpu.memory_space<vmem>>[vector<16xi32>], vector<16xf32>,
      %add3A_534 = arith.constant 2 : i32
      %add3A_535 = vector.broadcast %add3A_534 : i32 to vector<16xi32>
      %add3A_536 = arith.addi %mul3A_515, %add3A_535 : vector<16xi32>
      tpu.vector_store_idx %arg7[%add3A_536], %gather3A_533 : memref<1024xf32, #tpu.memory_space<vmem>>[vector<16xi32>], vector<16xf32>,
      %add3A_537 = arith.constant 3 : i32
      %add3A_538 = vector.broadcast %add3A_537 : i32 to vector<16xi32>
      %add3A_539 = arith.addi %mul3A_512, %add3A_538 : vector<16xi32>
      %gather3A_540 = tpu.vector_load_idx %arg5[%add3A_539] : memref<50176xf32, #tpu.memory_space<vmem>>[vector<16xi32>], vector<16xf32>,
      %add3A_541 = arith.constant 3 : i32
      %add3A_542 = vector.broadcast %add3A_541 : i32 to vector<16xi32>
      %add3A_543 = arith.addi %mul3A_515, %add3A_542 : vector<16xi32>
      tpu.vector_store_idx %arg7[%add3A_543], %gather3A_540 : memref<1024xf32, #tpu.memory_space<vmem>>[vector<16xi32>], vector<16xf32>,
      %add3A_544 = arith.constant 4 : i32
      %add3A_545 = vector.broadcast %add3A_544 : i32 to vector<16xi32>
      %add3A_546 = arith.addi %mul3A_512, %add3A_545 : vector<16xi32>
      %gather3A_547 = tpu.vector_load_idx %arg5[%add3A_546] : memref<50176xf32, #tpu.memory_space<vmem>>[vector<16xi32>], vector<16xf32>,
      %add3A_548 = arith.constant 4 : i32
      %add3A_549 = vector.broadcast %add3A_548 : i32 to vector<16xi32>
      %add3A_550 = arith.addi %mul3A_515, %add3A_549 : vector<16xi32>
      tpu.vector_store_idx %arg7[%add3A_550], %gather3A_547 : memref<1024xf32, #tpu.memory_space<vmem>>[vector<16xi32>], vector<16xf32>,
      %add3A_551 = arith.constant 5 : i32
      %add3A_552 = vector.broadcast %add3A_551 : i32 to vector<16xi32>
      %add3A_553 = arith.addi %mul3A_512, %add3A_552 : vector<16xi32>
      %gather3A_554 = tpu.vector_load_idx %arg5[%add3A_553] : memref<50176xf32, #tpu.memory_space<vmem>>[vector<16xi32>], vector<16xf32>,
      %add3A_555 = arith.constant 5 : i32
      %add3A_556 = vector.broadcast %add3A_555 : i32 to vector<16xi32>
      %add3A_557 = arith.addi %mul3A_515, %add3A_556 : vector<16xi32>
      tpu.vector_store_idx %arg7[%add3A_557], %gather3A_554 : memref<1024xf32, #tpu.memory_space<vmem>>[vector<16xi32>], vector<16xf32>,
      %add3A_558 = arith.constant 6 : i32
      %add3A_559 = vector.broadcast %add3A_558 : i32 to vector<16xi32>
      %add3A_560 = arith.addi %mul3A_512, %add3A_559 : vector<16xi32>
      %gather3A_561 = tpu.vector_load_idx %arg5[%add3A_560] : memref<50176xf32, #tpu.memory_space<vmem>>[vector<16xi32>], vector<16xf32>,
      %add3A_562 = arith.constant 6 : i32
      %add3A_563 = vector.broadcast %add3A_562 : i32 to vector<16xi32>
      %add3A_564 = arith.addi %mul3A_515, %add3A_563 : vector<16xi32>
      tpu.vector_store_idx %arg7[%add3A_564], %gather3A_561 : memref<1024xf32, #tpu.memory_space<vmem>>[vector<16xi32>], vector<16xf32>,
      %add3A_565 = arith.constant 7 : i32
      %add3A_566 = vector.broadcast %add3A_565 : i32 to vector<16xi32>
      %add3A_567 = arith.addi %mul3A_512, %add3A_566 : vector<16xi32>
      %gather3A_568 = tpu.vector_load_idx %arg5[%add3A_567] : memref<50176xf32, #tpu.memory_space<vmem>>[vector<16xi32>], vector<16xf32>,
      %add3A_569 = arith.constant 7 : i32
      %add3A_570 = vector.broadcast %add3A_569 : i32 to vector<16xi32>
      %add3A_571 = arith.addi %mul3A_515, %add3A_570 : vector<16xi32>
      tpu.vector_store_idx %arg7[%add3A_571], %gather3A_568 : memref<1024xf32, #tpu.memory_space<vmem>>[vector<16xi32>], vector<16xf32>,
      %mul3A_572 = arith.constant 1024 : i32
      %mul3A_573 = arith.muli %scan3A_12, %mul3A_572 : i32
      %add3A_574 = arith.addi %mul3A_6, %mul3A_573 : i32
      "tpu.region"() ({
        %run_scoped3A = tpu.sem_alloc : memref<!tpu.dma_semaphore, #tpu.memory_space<semaphore_mem>>
        %dma_start3A = tpu.memref_slice %arg4[%add3A_574] : memref<524288xf32, #tpu.memory_space<hbm>> -> memref<1024xf32, #tpu.memory_space<hbm>>
        %dma_start3A_575 = tpu.memref_slice %arg4[%add3A_574] : memref<524288xf32, #tpu.memory_space<hbm>> -> memref<1024xf32, #tpu.memory_space<hbm>>
        tpu.enqueue_dma source(%arg7 : memref<1024xf32, #tpu.memory_space<vmem>>) target(%dma_start3A_575 : memref<1024xf32, #tpu.memory_space<hbm>>) target_semaphore(%run_scoped3A : memref<!tpu.dma_semaphore, #tpu.memory_space<semaphore_mem>>)
        %dma_wait3A = tpu.memref_slice %arg4[%add3A_574] : memref<524288xf32, #tpu.memory_space<hbm>> -> memref<1024xf32, #tpu.memory_space<hbm>>
        %dma_wait3A_576 = tpu.memref_slice %arg4[%add3A_574] : memref<524288xf32, #tpu.memory_space<hbm>> -> memref<1024xf32, #tpu.memory_space<hbm>>
        tpu.wait_dma2 semaphore(%run_scoped3A : memref<!tpu.dma_semaphore, #tpu.memory_space<semaphore_mem>>) src(%arg7 : memref<1024xf32, #tpu.memory_space<vmem>>) dst(%dma_wait3A_576 : memref<1024xf32, #tpu.memory_space<hbm>>)
        tpu.yield
      }) : () -> ()
    }
    %scan3A_11 = arith.constant 16 : i32
    return
  }
}

module attributes {stable_mosaic.version = 14 : i64} {
  func.func @_prep_body(%arg0: i32, %arg1: memref<1x384x3136xf32, #tpu.memory_space<vmem>>, %arg2: memref<8x384xf32, #tpu.memory_space<vmem>>, %arg3: memref<1x384x3136xbf16, #tpu.memory_space<vmem>>, %arg4: memref<1x3136x8xf32, #tpu.memory_space<vmem>>) attributes {dimension_semantics = [#tpu.dimension_semantics<arbitrary>], iteration_bounds = array<i64: 2>, scalar_prefetch = 0 : i64, scratch_operands = 0 : i64, tpu.core_type = #tpu.core_type<tc>, window_params = [{transform_indices = @transform_0, window_bounds = array<i64: 1, 384, 3136>}, {pipeline_mode = #tpu.pipeline_mode<synchronous>, transform_indices = @transform_1, window_bounds = array<i64: 8, 384>}, {transform_indices = @transform_2, window_bounds = array<i64: 1, 384, 3136>}, {transform_indices = @transform_3, window_bounds = array<i64: 1, 3136, 8>}]} {
    %get3A = arith.constant 0 : index
    %get3A_0 = arith.constant 0 : index
    %get3A_1 = arith.constant 0 : index
    %get3A_2 = vector.load %arg1[%get3A, %get3A_0, %get3A_1] : memref<1x384x3136xf32, #tpu.memory_space<vmem>>, vector<1x384x3136xf32>
    %get3A_3 = vector.shape_cast %get3A_2 : vector<1x384x3136xf32> to vector<384x3136xf32>
    %mul3A = arith.mulf %get3A_3, %get3A_3 : vector<384x3136xf32>
    %reduce_sum3A = arith.constant dense<0.000000e+00> : vector<3136xf32>
    %reduce_sum3A_4 = vector.multi_reduction <add>, %mul3A, %reduce_sum3A [0] : vector<384x3136xf32> to vector<3136xf32>
    %broadcast_in_dim3A = vector.shape_cast %reduce_sum3A_4 : vector<3136xf32> to vector<1x3136xf32>
    %sqrt3A = math.sqrt %broadcast_in_dim3A : vector<1x3136xf32>
    %add3A = arith.constant 9.99999993E-9 : f32
    %add3A_5 = vector.broadcast %add3A : f32 to vector<1x3136xf32>
    %add3A_6 = arith.addf %sqrt3A, %add3A_5 : vector<1x3136xf32>
    %div3A = vector.broadcast %add3A_6 : vector<1x3136xf32> to vector<384x3136xf32>
    %div3A_7 = arith.divf %get3A_3, %div3A : vector<384x3136xf32>
    %convert_element_type3A = arith.truncf %div3A_7 : vector<384x3136xf32> to vector<384x3136xbf16>
    %swap3A = arith.constant 0 : index
    %swap3A_8 = arith.constant 0 : index
    %swap3A_9 = arith.constant 0 : index
    %swap3A_10 = vector.load %arg3[%swap3A, %swap3A_8, %swap3A_9] : memref<1x384x3136xbf16, #tpu.memory_space<vmem>>, vector<1x384x3136xbf16>
    %swap3A_11 = vector.shape_cast %swap3A_10 : vector<1x384x3136xbf16> to vector<384x3136xbf16>
    %swap3A_12 = vector.shape_cast %convert_element_type3A : vector<384x3136xbf16> to vector<1x384x3136xbf16>
    tpu.vector_store %arg3[%swap3A, %swap3A_8, %swap3A_9], %swap3A_12 {strides = array<i32>} : memref<1x384x3136xbf16, #tpu.memory_space<vmem>>, vector<1x384x3136xbf16>,
    %get3A_13 = arith.constant 0 : index
    %get3A_14 = arith.constant 0 : index
    %get3A_15 = vector.load %arg2[%get3A_13, %get3A_14] : memref<8x384xf32, #tpu.memory_space<vmem>>, vector<8x384xf32>
    %dot_general3A = arith.constant dense<0.000000e+00> : vector<3136x8xf32>
    %dot_general3A_16 = tpu.matmul %get3A_3, %get3A_15, %dot_general3A {dimension_numbers = #tpu.dot_dimension_numbers<[0], [1], [1], [0], [0, 1, 1, 0], [], []>, transpose_lhs_hint = false} : vector<384x3136xf32>, vector<8x384xf32>, vector<3136x8xf32> -> vector<3136x8xf32>
    %max3A = arith.constant 0.000000e+00 : f32
    %max3A_17 = vector.broadcast %max3A : f32 to vector<3136x8xf32>
    %max3A_18 = arith.maximumf %dot_general3A_16, %max3A_17 : vector<3136x8xf32>
    %swap3A_19 = arith.constant 0 : index
    %swap3A_20 = arith.constant 0 : index
    %swap3A_21 = arith.constant 0 : index
    %swap3A_22 = vector.load %arg4[%swap3A_19, %swap3A_20, %swap3A_21] : memref<1x3136x8xf32, #tpu.memory_space<vmem>>, vector<1x3136x8xf32>
    %swap3A_23 = vector.shape_cast %swap3A_22 : vector<1x3136x8xf32> to vector<3136x8xf32>
    %swap3A_24 = vector.shape_cast %max3A_18 : vector<3136x8xf32> to vector<1x3136x8xf32>
    tpu.vector_store %arg4[%swap3A_19, %swap3A_20, %swap3A_21], %swap3A_24 {strides = array<i32>} : memref<1x3136x8xf32, #tpu.memory_space<vmem>>, vector<1x3136x8xf32>,
    return
  }
  func.func @transform_0(%arg0: i32) -> (i32, i32, i32) {
    %c0_i32 = arith.constant 0 : i32
    %c0_i32_0 = arith.constant 0 : i32
    %c0_i32_1 = arith.constant 0 : i32
    return %arg0, %c0_i32, %c0_i32_0 : i32, i32, i32
  }
  func.func @transform_1(%arg0: i32) -> (i32, i32) {
    %c0_i32 = arith.constant 0 : i32
    %c0_i32_0 = arith.constant 0 : i32
    %c0_i32_1 = arith.constant 0 : i32
    return %c0_i32, %c0_i32_0 : i32, i32
  }
  func.func @transform_2(%arg0: i32) -> (i32, i32, i32) {
    %c0_i32 = arith.constant 0 : i32
    %c0_i32_0 = arith.constant 0 : i32
    %c0_i32_1 = arith.constant 0 : i32
    return %arg0, %c0_i32, %c0_i32_0 : i32, i32, i32
  }
  func.func @transform_3(%arg0: i32) -> (i32, i32, i32) {
    %c0_i32 = arith.constant 0 : i32
    %c0_i32_0 = arith.constant 0 : i32
    %c0_i32_1 = arith.constant 0 : i32
    return %arg0, %c0_i32, %c0_i32_0 : i32, i32, i32
  }
}

module attributes {stable_mosaic.version = 14 : i64} {
  func.func @_topk_body(%arg0: i32, %arg1: i32, %arg2: memref<1x448x384xbf16, #tpu.memory_space<vmem>>, %arg3: memref<1x384x3136xbf16, #tpu.memory_space<vmem>>, %arg4: memref<1x448x9xf32, #tpu.memory_space<vmem>>, %arg5: memref<1x448x9xi32, #tpu.memory_space<vmem>>) attributes {dimension_semantics = [#tpu.dimension_semantics<arbitrary>, #tpu.dimension_semantics<arbitrary>], iteration_bounds = array<i64: 2, 7>, scalar_prefetch = 0 : i64, scratch_operands = 0 : i64, tpu.core_type = #tpu.core_type<tc>, window_params = [{transform_indices = @transform_0, window_bounds = array<i64: 1, 448, 384>}, {transform_indices = @transform_1, window_bounds = array<i64: 1, 384, 3136>}, {transform_indices = @transform_2, window_bounds = array<i64: 1, 448, 9>}, {transform_indices = @transform_3, window_bounds = array<i64: 1, 448, 9>}]} {
    %get3A = arith.constant 0 : index
    %get3A_0 = arith.constant 0 : index
    %get3A_1 = arith.constant 0 : index
    %get3A_2 = vector.load %arg2[%get3A, %get3A_0, %get3A_1] : memref<1x448x384xbf16, #tpu.memory_space<vmem>>, vector<1x448x384xbf16>
    %get3A_3 = vector.shape_cast %get3A_2 : vector<1x448x384xbf16> to vector<448x384xbf16>
    %get3A_4 = arith.constant 0 : index
    %get3A_5 = arith.constant 0 : index
    %get3A_6 = arith.constant 0 : index
    %get3A_7 = vector.load %arg3[%get3A_4, %get3A_5, %get3A_6] : memref<1x384x3136xbf16, #tpu.memory_space<vmem>>, vector<1x384x3136xbf16>
    %get3A_8 = vector.shape_cast %get3A_7 : vector<1x384x3136xbf16> to vector<384x3136xbf16>
    %dot_general3A = arith.constant dense<0.000000e+00> : vector<448x3136xf32>
    %dot_general3A_9 = tpu.matmul %get3A_3, %get3A_8, %dot_general3A {dimension_numbers = #tpu.dot_dimension_numbers<[1], [0], [0], [1], [0, 0, 1, 1], [], []>, transpose_lhs_hint = false} : vector<448x384xbf16>, vector<384x3136xbf16>, vector<448x3136xf32> -> vector<448x3136xf32>
    %iota3A = tpu.iota {dimensions = array<i32: 1>} : vector<448x3136xi32>
    %iota3A_10 = tpu.iota {dimensions = array<i32: 0>} : vector<448x3136xi32>
    %mul3A = arith.constant 448 : i32
    %mul3A_11 = arith.muli %arg1, %mul3A : i32
    %add3A = vector.broadcast %mul3A_11 : i32 to vector<448x3136xi32>
    %add3A_12 = arith.addi %iota3A_10, %add3A : vector<448x3136xi32>
    %eq3A = arith.cmpi eq, %iota3A, %add3A_12 : vector<448x3136xi32>
    %jit3A = arith.constant 1.100000e+00 : f32
    %broadcast_in_dim3A = vector.broadcast %jit3A : f32 to vector<448x3136xf32>
    %select_n3A = arith.select %eq3A, %broadcast_in_dim3A, %dot_general3A_9 : vector<448x3136xi1>, vector<448x3136xf32>
    %reduce_max3A = arith.constant dense<0xFF800000> : vector<448xf32>
    %reduce_max3A_13 = vector.multi_reduction <maximumf>, %select_n3A, %reduce_max3A [1] : vector<448x3136xf32> to vector<448xf32>
    %broadcast_in_dim3A_14 = vector.shape_cast %reduce_max3A_13 : vector<448xf32> to vector<448x1xf32>
    %eq3A_15 = vector.broadcast %broadcast_in_dim3A_14 : vector<448x1xf32> to vector<448x3136xf32>
    %eq3A_16 = arith.cmpf oeq, %select_n3A, %eq3A_15 : vector<448x3136xf32>
    %jit3A_17 = arith.constant 3136 : i32
    %broadcast_in_dim3A_18 = vector.broadcast %jit3A_17 : i32 to vector<448x3136xi32>
    %select_n3A_19 = arith.select %eq3A_16, %iota3A, %broadcast_in_dim3A_18 : vector<448x3136xi1>, vector<448x3136xi32>
    %reduce_min3A = arith.constant dense<2147483647> : vector<448xi32>
    %reduce_min3A_20 = vector.multi_reduction <minsi>, %select_n3A_19, %reduce_min3A [1] : vector<448x3136xi32> to vector<448xi32>
    %broadcast_in_dim3A_21 = vector.shape_cast %reduce_min3A_20 : vector<448xi32> to vector<448x1xi32>
    %eq3A_22 = vector.broadcast %broadcast_in_dim3A_21 : vector<448x1xi32> to vector<448x3136xi32>
    %eq3A_23 = arith.cmpi eq, %iota3A, %eq3A_22 : vector<448x3136xi32>
    %jit3A_24 = arith.constant -3.000000e+00 : f32
    %broadcast_in_dim3A_25 = vector.broadcast %jit3A_24 : f32 to vector<448x3136xf32>
    %select_n3A_26 = arith.select %eq3A_23, %broadcast_in_dim3A_25, %select_n3A : vector<448x3136xi1>, vector<448x3136xf32>
    %reduce_max3A_27 = arith.constant dense<0xFF800000> : vector<448xf32>
    %reduce_max3A_28 = vector.multi_reduction <maximumf>, %select_n3A_26, %reduce_max3A_27 [1] : vector<448x3136xf32> to vector<448xf32>
    %broadcast_in_dim3A_29 = vector.shape_cast %reduce_max3A_28 : vector<448xf32> to vector<448x1xf32>
    %eq3A_30 = vector.broadcast %broadcast_in_dim3A_29 : vector<448x1xf32> to vector<448x3136xf32>
    %eq3A_31 = arith.cmpf oeq, %select_n3A_26, %eq3A_30 : vector<448x3136xf32>
    %jit3A_32 = arith.constant 3136 : i32
    %broadcast_in_dim3A_33 = vector.broadcast %jit3A_32 : i32 to vector<448x3136xi32>
    %select_n3A_34 = arith.select %eq3A_31, %iota3A, %broadcast_in_dim3A_33 : vector<448x3136xi1>, vector<448x3136xi32>
    %reduce_min3A_35 = arith.constant dense<2147483647> : vector<448xi32>
    %reduce_min3A_36 = vector.multi_reduction <minsi>, %select_n3A_34, %reduce_min3A_35 [1] : vector<448x3136xi32> to vector<448xi32>
    %broadcast_in_dim3A_37 = vector.shape_cast %reduce_min3A_36 : vector<448xi32> to vector<448x1xi32>
    %eq3A_38 = vector.broadcast %broadcast_in_dim3A_37 : vector<448x1xi32> to vector<448x3136xi32>
    %eq3A_39 = arith.cmpi eq, %iota3A, %eq3A_38 : vector<448x3136xi32>
    %jit3A_40 = arith.constant -3.000000e+00 : f32
    %broadcast_in_dim3A_41 = vector.broadcast %jit3A_40 : f32 to vector<448x3136xf32>
    %select_n3A_42 = arith.select %eq3A_39, %broadcast_in_dim3A_41, %select_n3A_26 : vector<448x3136xi1>, vector<448x3136xf32>
    %reduce_max3A_43 = arith.constant dense<0xFF800000> : vector<448xf32>
    %reduce_max3A_44 = vector.multi_reduction <maximumf>, %select_n3A_42, %reduce_max3A_43 [1] : vector<448x3136xf32> to vector<448xf32>
    %broadcast_in_dim3A_45 = vector.shape_cast %reduce_max3A_44 : vector<448xf32> to vector<448x1xf32>
    %eq3A_46 = vector.broadcast %broadcast_in_dim3A_45 : vector<448x1xf32> to vector<448x3136xf32>
    %eq3A_47 = arith.cmpf oeq, %select_n3A_42, %eq3A_46 : vector<448x3136xf32>
    %jit3A_48 = arith.constant 3136 : i32
    %broadcast_in_dim3A_49 = vector.broadcast %jit3A_48 : i32 to vector<448x3136xi32>
    %select_n3A_50 = arith.select %eq3A_47, %iota3A, %broadcast_in_dim3A_49 : vector<448x3136xi1>, vector<448x3136xi32>
    %reduce_min3A_51 = arith.constant dense<2147483647> : vector<448xi32>
    %reduce_min3A_52 = vector.multi_reduction <minsi>, %select_n3A_50, %reduce_min3A_51 [1] : vector<448x3136xi32> to vector<448xi32>
    %broadcast_in_dim3A_53 = vector.shape_cast %reduce_min3A_52 : vector<448xi32> to vector<448x1xi32>
    %eq3A_54 = vector.broadcast %broadcast_in_dim3A_53 : vector<448x1xi32> to vector<448x3136xi32>
    %eq3A_55 = arith.cmpi eq, %iota3A, %eq3A_54 : vector<448x3136xi32>
    %jit3A_56 = arith.constant -3.000000e+00 : f32
    %broadcast_in_dim3A_57 = vector.broadcast %jit3A_56 : f32 to vector<448x3136xf32>
    %select_n3A_58 = arith.select %eq3A_55, %broadcast_in_dim3A_57, %select_n3A_42 : vector<448x3136xi1>, vector<448x3136xf32>
    %reduce_max3A_59 = arith.constant dense<0xFF800000> : vector<448xf32>
    %reduce_max3A_60 = vector.multi_reduction <maximumf>, %select_n3A_58, %reduce_max3A_59 [1] : vector<448x3136xf32> to vector<448xf32>
    %broadcast_in_dim3A_61 = vector.shape_cast %reduce_max3A_60 : vector<448xf32> to vector<448x1xf32>
    %eq3A_62 = vector.broadcast %broadcast_in_dim3A_61 : vector<448x1xf32> to vector<448x3136xf32>
    %eq3A_63 = arith.cmpf oeq, %select_n3A_58, %eq3A_62 : vector<448x3136xf32>
    %jit3A_64 = arith.constant 3136 : i32
    %broadcast_in_dim3A_65 = vector.broadcast %jit3A_64 : i32 to vector<448x3136xi32>
    %select_n3A_66 = arith.select %eq3A_63, %iota3A, %broadcast_in_dim3A_65 : vector<448x3136xi1>, vector<448x3136xi32>
    %reduce_min3A_67 = arith.constant dense<2147483647> : vector<448xi32>
    %reduce_min3A_68 = vector.multi_reduction <minsi>, %select_n3A_66, %reduce_min3A_67 [1] : vector<448x3136xi32> to vector<448xi32>
    %broadcast_in_dim3A_69 = vector.shape_cast %reduce_min3A_68 : vector<448xi32> to vector<448x1xi32>
    %eq3A_70 = vector.broadcast %broadcast_in_dim3A_69 : vector<448x1xi32> to vector<448x3136xi32>
    %eq3A_71 = arith.cmpi eq, %iota3A, %eq3A_70 : vector<448x3136xi32>
    %jit3A_72 = arith.constant -3.000000e+00 : f32
    %broadcast_in_dim3A_73 = vector.broadcast %jit3A_72 : f32 to vector<448x3136xf32>
    %select_n3A_74 = arith.select %eq3A_71, %broadcast_in_dim3A_73, %select_n3A_58 : vector<448x3136xi1>, vector<448x3136xf32>
    %reduce_max3A_75 = arith.constant dense<0xFF800000> : vector<448xf32>
    %reduce_max3A_76 = vector.multi_reduction <maximumf>, %select_n3A_74, %reduce_max3A_75 [1] : vector<448x3136xf32> to vector<448xf32>
    %broadcast_in_dim3A_77 = vector.shape_cast %reduce_max3A_76 : vector<448xf32> to vector<448x1xf32>
    %eq3A_78 = vector.broadcast %broadcast_in_dim3A_77 : vector<448x1xf32> to vector<448x3136xf32>
    %eq3A_79 = arith.cmpf oeq, %select_n3A_74, %eq3A_78 : vector<448x3136xf32>
    %jit3A_80 = arith.constant 3136 : i32
    %broadcast_in_dim3A_81 = vector.broadcast %jit3A_80 : i32 to vector<448x3136xi32>
    %select_n3A_82 = arith.select %eq3A_79, %iota3A, %broadcast_in_dim3A_81 : vector<448x3136xi1>, vector<448x3136xi32>
    %reduce_min3A_83 = arith.constant dense<2147483647> : vector<448xi32>
    %reduce_min3A_84 = vector.multi_reduction <minsi>, %select_n3A_82, %reduce_min3A_83 [1] : vector<448x3136xi32> to vector<448xi32>
    %broadcast_in_dim3A_85 = vector.shape_cast %reduce_min3A_84 : vector<448xi32> to vector<448x1xi32>
    %eq3A_86 = vector.broadcast %broadcast_in_dim3A_85 : vector<448x1xi32> to vector<448x3136xi32>
    %eq3A_87 = arith.cmpi eq, %iota3A, %eq3A_86 : vector<448x3136xi32>
    %jit3A_88 = arith.constant -3.000000e+00 : f32
    %broadcast_in_dim3A_89 = vector.broadcast %jit3A_88 : f32 to vector<448x3136xf32>
    %select_n3A_90 = arith.select %eq3A_87, %broadcast_in_dim3A_89, %select_n3A_74 : vector<448x3136xi1>, vector<448x3136xf32>
    %reduce_max3A_91 = arith.constant dense<0xFF800000> : vector<448xf32>
    %reduce_max3A_92 = vector.multi_reduction <maximumf>, %select_n3A_90, %reduce_max3A_91 [1] : vector<448x3136xf32> to vector<448xf32>
    %broadcast_in_dim3A_93 = vector.shape_cast %reduce_max3A_92 : vector<448xf32> to vector<448x1xf32>
    %eq3A_94 = vector.broadcast %broadcast_in_dim3A_93 : vector<448x1xf32> to vector<448x3136xf32>
    %eq3A_95 = arith.cmpf oeq, %select_n3A_90, %eq3A_94 : vector<448x3136xf32>
    %jit3A_96 = arith.constant 3136 : i32
    %broadcast_in_dim3A_97 = vector.broadcast %jit3A_96 : i32 to vector<448x3136xi32>
    %select_n3A_98 = arith.select %eq3A_95, %iota3A, %broadcast_in_dim3A_97 : vector<448x3136xi1>, vector<448x3136xi32>
    %reduce_min3A_99 = arith.constant dense<2147483647> : vector<448xi32>
    %reduce_min3A_100 = vector.multi_reduction <minsi>, %select_n3A_98, %reduce_min3A_99 [1] : vector<448x3136xi32> to vector<448xi32>
    %broadcast_in_dim3A_101 = vector.shape_cast %reduce_min3A_100 : vector<448xi32> to vector<448x1xi32>
    %eq3A_102 = vector.broadcast %broadcast_in_dim3A_101 : vector<448x1xi32> to vector<448x3136xi32>
    %eq3A_103 = arith.cmpi eq, %iota3A, %eq3A_102 : vector<448x3136xi32>
    %jit3A_104 = arith.constant -3.000000e+00 : f32
    %broadcast_in_dim3A_105 = vector.broadcast %jit3A_104 : f32 to vector<448x3136xf32>
    %select_n3A_106 = arith.select %eq3A_103, %broadcast_in_dim3A_105, %select_n3A_90 : vector<448x3136xi1>, vector<448x3136xf32>
    %reduce_max3A_107 = arith.constant dense<0xFF800000> : vector<448xf32>
    %reduce_max3A_108 = vector.multi_reduction <maximumf>, %select_n3A_106, %reduce_max3A_107 [1] : vector<448x3136xf32> to vector<448xf32>
    %broadcast_in_dim3A_109 = vector.shape_cast %reduce_max3A_108 : vector<448xf32> to vector<448x1xf32>
    %eq3A_110 = vector.broadcast %broadcast_in_dim3A_109 : vector<448x1xf32> to vector<448x3136xf32>
    %eq3A_111 = arith.cmpf oeq, %select_n3A_106, %eq3A_110 : vector<448x3136xf32>
    %jit3A_112 = arith.constant 3136 : i32
    %broadcast_in_dim3A_113 = vector.broadcast %jit3A_112 : i32 to vector<448x3136xi32>
    %select_n3A_114 = arith.select %eq3A_111, %iota3A, %broadcast_in_dim3A_113 : vector<448x3136xi1>, vector<448x3136xi32>
    %reduce_min3A_115 = arith.constant dense<2147483647> : vector<448xi32>
    %reduce_min3A_116 = vector.multi_reduction <minsi>, %select_n3A_114, %reduce_min3A_115 [1] : vector<448x3136xi32> to vector<448xi32>
    %broadcast_in_dim3A_117 = vector.shape_cast %reduce_min3A_116 : vector<448xi32> to vector<448x1xi32>
    %eq3A_118 = vector.broadcast %broadcast_in_dim3A_117 : vector<448x1xi32> to vector<448x3136xi32>
    %eq3A_119 = arith.cmpi eq, %iota3A, %eq3A_118 : vector<448x3136xi32>
    %jit3A_120 = arith.constant -3.000000e+00 : f32
    %broadcast_in_dim3A_121 = vector.broadcast %jit3A_120 : f32 to vector<448x3136xf32>
    %select_n3A_122 = arith.select %eq3A_119, %broadcast_in_dim3A_121, %select_n3A_106 : vector<448x3136xi1>, vector<448x3136xf32>
    %reduce_max3A_123 = arith.constant dense<0xFF800000> : vector<448xf32>
    %reduce_max3A_124 = vector.multi_reduction <maximumf>, %select_n3A_122, %reduce_max3A_123 [1] : vector<448x3136xf32> to vector<448xf32>
    %broadcast_in_dim3A_125 = vector.shape_cast %reduce_max3A_124 : vector<448xf32> to vector<448x1xf32>
    %eq3A_126 = vector.broadcast %broadcast_in_dim3A_125 : vector<448x1xf32> to vector<448x3136xf32>
    %eq3A_127 = arith.cmpf oeq, %select_n3A_122, %eq3A_126 : vector<448x3136xf32>
    %jit3A_128 = arith.constant 3136 : i32
    %broadcast_in_dim3A_129 = vector.broadcast %jit3A_128 : i32 to vector<448x3136xi32>
    %select_n3A_130 = arith.select %eq3A_127, %iota3A, %broadcast_in_dim3A_129 : vector<448x3136xi1>, vector<448x3136xi32>
    %reduce_min3A_131 = arith.constant dense<2147483647> : vector<448xi32>
    %reduce_min3A_132 = vector.multi_reduction <minsi>, %select_n3A_130, %reduce_min3A_131 [1] : vector<448x3136xi32> to vector<448xi32>
    %broadcast_in_dim3A_133 = vector.shape_cast %reduce_min3A_132 : vector<448xi32> to vector<448x1xi32>
    %eq3A_134 = vector.broadcast %broadcast_in_dim3A_133 : vector<448x1xi32> to vector<448x3136xi32>
    %eq3A_135 = arith.cmpi eq, %iota3A, %eq3A_134 : vector<448x3136xi32>
    %jit3A_136 = arith.constant -3.000000e+00 : f32
    %broadcast_in_dim3A_137 = vector.broadcast %jit3A_136 : f32 to vector<448x3136xf32>
    %select_n3A_138 = arith.select %eq3A_135, %broadcast_in_dim3A_137, %select_n3A_122 : vector<448x3136xi1>, vector<448x3136xf32>
    %reduce_max3A_139 = arith.constant dense<0xFF800000> : vector<448xf32>
    %reduce_max3A_140 = vector.multi_reduction <maximumf>, %select_n3A_138, %reduce_max3A_139 [1] : vector<448x3136xf32> to vector<448xf32>
    %broadcast_in_dim3A_141 = vector.shape_cast %reduce_max3A_140 : vector<448xf32> to vector<448x1xf32>
    %eq3A_142 = vector.broadcast %broadcast_in_dim3A_141 : vector<448x1xf32> to vector<448x3136xf32>
    %eq3A_143 = arith.cmpf oeq, %select_n3A_138, %eq3A_142 : vector<448x3136xf32>
    %jit3A_144 = arith.constant 3136 : i32
    %broadcast_in_dim3A_145 = vector.broadcast %jit3A_144 : i32 to vector<448x3136xi32>
    %select_n3A_146 = arith.select %eq3A_143, %iota3A, %broadcast_in_dim3A_145 : vector<448x3136xi1>, vector<448x3136xi32>
    %reduce_min3A_147 = arith.constant dense<2147483647> : vector<448xi32>
    %reduce_min3A_148 = vector.multi_reduction <minsi>, %select_n3A_146, %reduce_min3A_147 [1] : vector<448x3136xi32> to vector<448xi32>
    %broadcast_in_dim3A_149 = vector.shape_cast %reduce_min3A_148 : vector<448xi32> to vector<448x1xi32>
    %concatenate3A = tpu.concatenate %broadcast_in_dim3A_14, %broadcast_in_dim3A_29, %broadcast_in_dim3A_45, %broadcast_in_dim3A_61, %broadcast_in_dim3A_77, %broadcast_in_dim3A_93, %broadcast_in_dim3A_109, %broadcast_in_dim3A_125, %broadcast_in_dim3A_141 in 1 : vector<448x1xf32>, vector<448x1xf32>, vector<448x1xf32>, vector<448x1xf32>, vector<448x1xf32>, vector<448x1xf32>, vector<448x1xf32>, vector<448x1xf32>, vector<448x1xf32> -> vector<448x9xf32>
    %concatenate3A_150 = tpu.concatenate %broadcast_in_dim3A_21, %broadcast_in_dim3A_37, %broadcast_in_dim3A_53, %broadcast_in_dim3A_69, %broadcast_in_dim3A_85, %broadcast_in_dim3A_101, %broadcast_in_dim3A_117, %broadcast_in_dim3A_133, %broadcast_in_dim3A_149 in 1 : vector<448x1xi32>, vector<448x1xi32>, vector<448x1xi32>, vector<448x1xi32>, vector<448x1xi32>, vector<448x1xi32>, vector<448x1xi32>, vector<448x1xi32>, vector<448x1xi32> -> vector<448x9xi32>
    %reduce_max3A_151 = arith.constant dense<0xFF800000> : vector<448xf32>
    %reduce_max3A_152 = vector.multi_reduction <maximumf>, %concatenate3A, %reduce_max3A_151 [1] : vector<448x9xf32> to vector<448xf32>
    %broadcast_in_dim3A_153 = vector.shape_cast %reduce_max3A_152 : vector<448xf32> to vector<448x1xf32>
    %sub3A = vector.broadcast %broadcast_in_dim3A_153 : vector<448x1xf32> to vector<448x9xf32>
    %sub3A_154 = arith.subf %concatenate3A, %sub3A : vector<448x9xf32>
    %exp3A = math.exp %sub3A_154 : vector<448x9xf32>
    %reduce_sum3A = arith.constant dense<0.000000e+00> : vector<448xf32>
    %reduce_sum3A_155 = vector.multi_reduction <add>, %exp3A, %reduce_sum3A [1] : vector<448x9xf32> to vector<448xf32>
    %broadcast_in_dim3A_156 = vector.shape_cast %reduce_sum3A_155 : vector<448xf32> to vector<448x1xf32>
    %div3A = vector.broadcast %broadcast_in_dim3A_156 : vector<448x1xf32> to vector<448x9xf32>
    %div3A_157 = arith.divf %exp3A, %div3A : vector<448x9xf32>
    %swap3A = arith.constant 0 : index
    %swap3A_158 = arith.constant 0 : index
    %swap3A_159 = arith.constant 0 : index
    %swap3A_160 = vector.load %arg4[%swap3A, %swap3A_158, %swap3A_159] : memref<1x448x9xf32, #tpu.memory_space<vmem>>, vector<1x448x9xf32>
    %swap3A_161 = vector.shape_cast %swap3A_160 : vector<1x448x9xf32> to vector<448x9xf32>
    %swap3A_162 = vector.shape_cast %div3A_157 : vector<448x9xf32> to vector<1x448x9xf32>
    tpu.vector_store %arg4[%swap3A, %swap3A_158, %swap3A_159], %swap3A_162 {strides = array<i32>} : memref<1x448x9xf32, #tpu.memory_space<vmem>>, vector<1x448x9xf32>,
    %mul3A_163 = arith.constant 3136 : i32
    %mul3A_164 = arith.muli %arg0, %mul3A_163 : i32
    %add3A_165 = vector.broadcast %mul3A_164 : i32 to vector<448x9xi32>
    %add3A_166 = arith.addi %concatenate3A_150, %add3A_165 : vector<448x9xi32>
    %swap3A_167 = arith.constant 0 : index
    %swap3A_168 = arith.constant 0 : index
    %swap3A_169 = arith.constant 0 : index
    %swap3A_170 = vector.load %arg5[%swap3A_167, %swap3A_168, %swap3A_169] : memref<1x448x9xi32, #tpu.memory_space<vmem>>, vector<1x448x9xi32>
    %swap3A_171 = vector.shape_cast %swap3A_170 : vector<1x448x9xi32> to vector<448x9xi32>
    %swap3A_172 = vector.shape_cast %add3A_166 : vector<448x9xi32> to vector<1x448x9xi32>
    tpu.vector_store %arg5[%swap3A_167, %swap3A_168, %swap3A_169], %swap3A_172 {strides = array<i32>} : memref<1x448x9xi32, #tpu.memory_space<vmem>>, vector<1x448x9xi32>,
    return
  }
  func.func @transform_0(%arg0: i32, %arg1: i32) -> (i32, i32, i32) {
    %c0_i32 = arith.constant 0 : i32
    %c0_i32_0 = arith.constant 0 : i32
    return %arg0, %arg1, %c0_i32 : i32, i32, i32
  }
  func.func @transform_1(%arg0: i32, %arg1: i32) -> (i32, i32, i32) {
    %c0_i32 = arith.constant 0 : i32
    %c0_i32_0 = arith.constant 0 : i32
    %c0_i32_1 = arith.constant 0 : i32
    return %arg0, %c0_i32, %c0_i32_0 : i32, i32, i32
  }
  func.func @transform_2(%arg0: i32, %arg1: i32) -> (i32, i32, i32) {
    %c0_i32 = arith.constant 0 : i32
    %c0_i32_0 = arith.constant 0 : i32
    return %arg0, %arg1, %c0_i32 : i32, i32, i32
  }
  func.func @transform_3(%arg0: i32, %arg1: i32) -> (i32, i32, i32) {
    %c0_i32 = arith.constant 0 : i32
    %c0_i32_0 = arith.constant 0 : i32
    return %arg0, %arg1, %c0_i32 : i32, i32, i32
  }
}

module attributes {stable_mosaic.version = 14 : i64} {
  func.func @_finish_body(%arg0: memref<6272x72xf32, #tpu.memory_space<vmem>>, %arg1: memref<6272x9xf32, #tpu.memory_space<vmem>>, %arg2: memref<864x384xf32, #tpu.memory_space<vmem>>, %arg3: memref<384x8xf32, #tpu.memory_space<vmem>>, %arg4: memref<96x96xf32, #tpu.memory_space<vmem>>, %arg5: memref<1x96xf32, #tpu.memory_space<vmem>>, %arg6: memref<6272x96xf32, #tpu.memory_space<vmem>>) attributes {dimension_semantics = [], scalar_prefetch = 0 : i64, scratch_operands = 0 : i64, tpu.core_type = #tpu.core_type<tc>} {
    %get3A = arith.constant 0 : index
    %get3A_0 = arith.constant 0 : index
    %get3A_1 = vector.load %arg4[%get3A, %get3A_0] : memref<96x96xf32, #tpu.memory_space<vmem>>, vector<96x96xf32>
    %get3A_2 = arith.constant 0 : index
    %get3A_3 = arith.constant 0 : index
    %get3A_4 = vector.load %arg2[%get3A_2, %get3A_3] : memref<864x384xf32, #tpu.memory_space<vmem>>, vector<96x384xf32>
    %get3A_5 = arith.constant 0 : index
    %get3A_6 = arith.constant 0 : index
    %get3A_7 = vector.load %arg3[%get3A_5, %get3A_6] : memref<384x8xf32, #tpu.memory_space<vmem>>, vector<384x8xf32>
    %dot_general3A = arith.constant dense<0.000000e+00> : vector<8x96xf32>
    %dot_general3A_8 = tpu.matmul %get3A_7, %get3A_4, %dot_general3A {dimension_numbers = #tpu.dot_dimension_numbers<[0], [1], [1], [0], [0, 1, 1, 0], [], []>, transpose_lhs_hint = false} : vector<384x8xf32>, vector<96x384xf32>, vector<8x96xf32> -> vector<8x96xf32>
    %dot_general3A_9 = arith.constant dense<0.000000e+00> : vector<8x96xf32>
    %dot_general3A_10 = tpu.matmul %dot_general3A_8, %get3A_1, %dot_general3A_9 {dimension_numbers = #tpu.dot_dimension_numbers<[1], [1], [0], [0], [0, 0, 1, 0], [], []>, transpose_lhs_hint = false} : vector<8x96xf32>, vector<96x96xf32>, vector<8x96xf32> -> vector<8x96xf32>
    %get3A_11 = arith.constant 96 : index
    %get3A_12 = arith.constant 0 : index
    %get3A_13 = vector.load %arg2[%get3A_11, %get3A_12] : memref<864x384xf32, #tpu.memory_space<vmem>>, vector<96x384xf32>
    %get3A_14 = arith.constant 0 : index
    %get3A_15 = arith.constant 0 : index
    %get3A_16 = vector.load %arg3[%get3A_14, %get3A_15] : memref<384x8xf32, #tpu.memory_space<vmem>>, vector<384x8xf32>
    %dot_general3A_17 = arith.constant dense<0.000000e+00> : vector<8x96xf32>
    %dot_general3A_18 = tpu.matmul %get3A_16, %get3A_13, %dot_general3A_17 {dimension_numbers = #tpu.dot_dimension_numbers<[0], [1], [1], [0], [0, 1, 1, 0], [], []>, transpose_lhs_hint = false} : vector<384x8xf32>, vector<96x384xf32>, vector<8x96xf32> -> vector<8x96xf32>
    %dot_general3A_19 = arith.constant dense<0.000000e+00> : vector<8x96xf32>
    %dot_general3A_20 = tpu.matmul %dot_general3A_18, %get3A_1, %dot_general3A_19 {dimension_numbers = #tpu.dot_dimension_numbers<[1], [1], [0], [0], [0, 0, 1, 0], [], []>, transpose_lhs_hint = false} : vector<8x96xf32>, vector<96x96xf32>, vector<8x96xf32> -> vector<8x96xf32>
    %get3A_21 = arith.constant 192 : index
    %get3A_22 = arith.constant 0 : index
    %get3A_23 = vector.load %arg2[%get3A_21, %get3A_22] : memref<864x384xf32, #tpu.memory_space<vmem>>, vector<96x384xf32>
    %get3A_24 = arith.constant 0 : index
    %get3A_25 = arith.constant 0 : index
    %get3A_26 = vector.load %arg3[%get3A_24, %get3A_25] : memref<384x8xf32, #tpu.memory_space<vmem>>, vector<384x8xf32>
    %dot_general3A_27 = arith.constant dense<0.000000e+00> : vector<8x96xf32>
    %dot_general3A_28 = tpu.matmul %get3A_26, %get3A_23, %dot_general3A_27 {dimension_numbers = #tpu.dot_dimension_numbers<[0], [1], [1], [0], [0, 1, 1, 0], [], []>, transpose_lhs_hint = false} : vector<384x8xf32>, vector<96x384xf32>, vector<8x96xf32> -> vector<8x96xf32>
    %dot_general3A_29 = arith.constant dense<0.000000e+00> : vector<8x96xf32>
    %dot_general3A_30 = tpu.matmul %dot_general3A_28, %get3A_1, %dot_general3A_29 {dimension_numbers = #tpu.dot_dimension_numbers<[1], [1], [0], [0], [0, 0, 1, 0], [], []>, transpose_lhs_hint = false} : vector<8x96xf32>, vector<96x96xf32>, vector<8x96xf32> -> vector<8x96xf32>
    %get3A_31 = arith.constant 288 : index
    %get3A_32 = arith.constant 0 : index
    %get3A_33 = vector.load %arg2[%get3A_31, %get3A_32] : memref<864x384xf32, #tpu.memory_space<vmem>>, vector<96x384xf32>
    %get3A_34 = arith.constant 0 : index
    %get3A_35 = arith.constant 0 : index
    %get3A_36 = vector.load %arg3[%get3A_34, %get3A_35] : memref<384x8xf32, #tpu.memory_space<vmem>>, vector<384x8xf32>
    %dot_general3A_37 = arith.constant dense<0.000000e+00> : vector<8x96xf32>
    %dot_general3A_38 = tpu.matmul %get3A_36, %get3A_33, %dot_general3A_37 {dimension_numbers = #tpu.dot_dimension_numbers<[0], [1], [1], [0], [0, 1, 1, 0], [], []>, transpose_lhs_hint = false} : vector<384x8xf32>, vector<96x384xf32>, vector<8x96xf32> -> vector<8x96xf32>
    %dot_general3A_39 = arith.constant dense<0.000000e+00> : vector<8x96xf32>
    %dot_general3A_40 = tpu.matmul %dot_general3A_38, %get3A_1, %dot_general3A_39 {dimension_numbers = #tpu.dot_dimension_numbers<[1], [1], [0], [0], [0, 0, 1, 0], [], []>, transpose_lhs_hint = false} : vector<8x96xf32>, vector<96x96xf32>, vector<8x96xf32> -> vector<8x96xf32>
    %get3A_41 = arith.constant 384 : index
    %get3A_42 = arith.constant 0 : index
    %get3A_43 = vector.load %arg2[%get3A_41, %get3A_42] : memref<864x384xf32, #tpu.memory_space<vmem>>, vector<96x384xf32>
    %get3A_44 = arith.constant 0 : index
    %get3A_45 = arith.constant 0 : index
    %get3A_46 = vector.load %arg3[%get3A_44, %get3A_45] : memref<384x8xf32, #tpu.memory_space<vmem>>, vector<384x8xf32>
    %dot_general3A_47 = arith.constant dense<0.000000e+00> : vector<8x96xf32>
    %dot_general3A_48 = tpu.matmul %get3A_46, %get3A_43, %dot_general3A_47 {dimension_numbers = #tpu.dot_dimension_numbers<[0], [1], [1], [0], [0, 1, 1, 0], [], []>, transpose_lhs_hint = false} : vector<384x8xf32>, vector<96x384xf32>, vector<8x96xf32> -> vector<8x96xf32>
    %dot_general3A_49 = arith.constant dense<0.000000e+00> : vector<8x96xf32>
    %dot_general3A_50 = tpu.matmul %dot_general3A_48, %get3A_1, %dot_general3A_49 {dimension_numbers = #tpu.dot_dimension_numbers<[1], [1], [0], [0], [0, 0, 1, 0], [], []>, transpose_lhs_hint = false} : vector<8x96xf32>, vector<96x96xf32>, vector<8x96xf32> -> vector<8x96xf32>
    %get3A_51 = arith.constant 480 : index
    %get3A_52 = arith.constant 0 : index
    %get3A_53 = vector.load %arg2[%get3A_51, %get3A_52] : memref<864x384xf32, #tpu.memory_space<vmem>>, vector<96x384xf32>
    %get3A_54 = arith.constant 0 : index
    %get3A_55 = arith.constant 0 : index
    %get3A_56 = vector.load %arg3[%get3A_54, %get3A_55] : memref<384x8xf32, #tpu.memory_space<vmem>>, vector<384x8xf32>
    %dot_general3A_57 = arith.constant dense<0.000000e+00> : vector<8x96xf32>
    %dot_general3A_58 = tpu.matmul %get3A_56, %get3A_53, %dot_general3A_57 {dimension_numbers = #tpu.dot_dimension_numbers<[0], [1], [1], [0], [0, 1, 1, 0], [], []>, transpose_lhs_hint = false} : vector<384x8xf32>, vector<96x384xf32>, vector<8x96xf32> -> vector<8x96xf32>
    %dot_general3A_59 = arith.constant dense<0.000000e+00> : vector<8x96xf32>
    %dot_general3A_60 = tpu.matmul %dot_general3A_58, %get3A_1, %dot_general3A_59 {dimension_numbers = #tpu.dot_dimension_numbers<[1], [1], [0], [0], [0, 0, 1, 0], [], []>, transpose_lhs_hint = false} : vector<8x96xf32>, vector<96x96xf32>, vector<8x96xf32> -> vector<8x96xf32>
    %get3A_61 = arith.constant 576 : index
    %get3A_62 = arith.constant 0 : index
    %get3A_63 = vector.load %arg2[%get3A_61, %get3A_62] : memref<864x384xf32, #tpu.memory_space<vmem>>, vector<96x384xf32>
    %get3A_64 = arith.constant 0 : index
    %get3A_65 = arith.constant 0 : index
    %get3A_66 = vector.load %arg3[%get3A_64, %get3A_65] : memref<384x8xf32, #tpu.memory_space<vmem>>, vector<384x8xf32>
    %dot_general3A_67 = arith.constant dense<0.000000e+00> : vector<8x96xf32>
    %dot_general3A_68 = tpu.matmul %get3A_66, %get3A_63, %dot_general3A_67 {dimension_numbers = #tpu.dot_dimension_numbers<[0], [1], [1], [0], [0, 1, 1, 0], [], []>, transpose_lhs_hint = false} : vector<384x8xf32>, vector<96x384xf32>, vector<8x96xf32> -> vector<8x96xf32>
    %dot_general3A_69 = arith.constant dense<0.000000e+00> : vector<8x96xf32>
    %dot_general3A_70 = tpu.matmul %dot_general3A_68, %get3A_1, %dot_general3A_69 {dimension_numbers = #tpu.dot_dimension_numbers<[1], [1], [0], [0], [0, 0, 1, 0], [], []>, transpose_lhs_hint = false} : vector<8x96xf32>, vector<96x96xf32>, vector<8x96xf32> -> vector<8x96xf32>
    %get3A_71 = arith.constant 672 : index
    %get3A_72 = arith.constant 0 : index
    %get3A_73 = vector.load %arg2[%get3A_71, %get3A_72] : memref<864x384xf32, #tpu.memory_space<vmem>>, vector<96x384xf32>
    %get3A_74 = arith.constant 0 : index
    %get3A_75 = arith.constant 0 : index
    %get3A_76 = vector.load %arg3[%get3A_74, %get3A_75] : memref<384x8xf32, #tpu.memory_space<vmem>>, vector<384x8xf32>
    %dot_general3A_77 = arith.constant dense<0.000000e+00> : vector<8x96xf32>
    %dot_general3A_78 = tpu.matmul %get3A_76, %get3A_73, %dot_general3A_77 {dimension_numbers = #tpu.dot_dimension_numbers<[0], [1], [1], [0], [0, 1, 1, 0], [], []>, transpose_lhs_hint = false} : vector<384x8xf32>, vector<96x384xf32>, vector<8x96xf32> -> vector<8x96xf32>
    %dot_general3A_79 = arith.constant dense<0.000000e+00> : vector<8x96xf32>
    %dot_general3A_80 = tpu.matmul %dot_general3A_78, %get3A_1, %dot_general3A_79 {dimension_numbers = #tpu.dot_dimension_numbers<[1], [1], [0], [0], [0, 0, 1, 0], [], []>, transpose_lhs_hint = false} : vector<8x96xf32>, vector<96x96xf32>, vector<8x96xf32> -> vector<8x96xf32>
    %get3A_81 = arith.constant 768 : index
    %get3A_82 = arith.constant 0 : index
    %get3A_83 = vector.load %arg2[%get3A_81, %get3A_82] : memref<864x384xf32, #tpu.memory_space<vmem>>, vector<96x384xf32>
    %get3A_84 = arith.constant 0 : index
    %get3A_85 = arith.constant 0 : index
    %get3A_86 = vector.load %arg3[%get3A_84, %get3A_85] : memref<384x8xf32, #tpu.memory_space<vmem>>, vector<384x8xf32>
    %dot_general3A_87 = arith.constant dense<0.000000e+00> : vector<8x96xf32>
    %dot_general3A_88 = tpu.matmul %get3A_86, %get3A_83, %dot_general3A_87 {dimension_numbers = #tpu.dot_dimension_numbers<[0], [1], [1], [0], [0, 1, 1, 0], [], []>, transpose_lhs_hint = false} : vector<384x8xf32>, vector<96x384xf32>, vector<8x96xf32> -> vector<8x96xf32>
    %dot_general3A_89 = arith.constant dense<0.000000e+00> : vector<8x96xf32>
    %dot_general3A_90 = tpu.matmul %dot_general3A_88, %get3A_1, %dot_general3A_89 {dimension_numbers = #tpu.dot_dimension_numbers<[1], [1], [0], [0], [0, 0, 1, 0], [], []>, transpose_lhs_hint = false} : vector<8x96xf32>, vector<96x96xf32>, vector<8x96xf32> -> vector<8x96xf32>
    %concatenate3A = tpu.concatenate %dot_general3A_10, %dot_general3A_20, %dot_general3A_30, %dot_general3A_40, %dot_general3A_50, %dot_general3A_60, %dot_general3A_70, %dot_general3A_80, %dot_general3A_90 in 0 : vector<8x96xf32>, vector<8x96xf32>, vector<8x96xf32>, vector<8x96xf32>, vector<8x96xf32>, vector<8x96xf32>, vector<8x96xf32>, vector<8x96xf32>, vector<8x96xf32> -> vector<72x96xf32>
    %iota3A = tpu.iota {dimensions = array<i32: 1>} : vector<9x72xi32>
    %iota3A_91 = tpu.iota {dimensions = array<i32: 0>} : vector<9x72xi32>
    %jit3A = arith.constant 8 : i32
    %div3A = vector.broadcast %jit3A : i32 to vector<9x72xi32>
    %div3A_92 = arith.divsi %iota3A, %div3A : vector<9x72xi32>
    %sign3A = arith.constant 0 : i32
    %sign3A_93 = vector.broadcast %sign3A : i32 to vector<9x72xi32>
    %sign3A_94 = arith.cmpi sgt, %iota3A, %sign3A_93 : vector<9x72xi32>
    %sign3A_95 = arith.extui %sign3A_94 : vector<9x72xi1> to vector<9x72xi32>
    %sign3A_96 = arith.constant 0 : i32
    %sign3A_97 = vector.broadcast %sign3A_96 : i32 to vector<9x72xi32>
    %sign3A_98 = arith.cmpi slt, %iota3A, %sign3A_97 : vector<9x72xi32>
    %sign3A_99 = arith.extui %sign3A_98 : vector<9x72xi1> to vector<9x72xi32>
    %sign3A_100 = arith.subi %sign3A_95, %sign3A_99 : vector<9x72xi32>
    %sign3A_101 = arith.constant 0 : i32
    %sign3A_102 = arith.cmpi sgt, %jit3A, %sign3A_101 : i32
    %sign3A_103 = arith.extui %sign3A_102 : i1 to i32
    %sign3A_104 = arith.constant 0 : i32
    %sign3A_105 = arith.cmpi slt, %jit3A, %sign3A_104 : i32
    %sign3A_106 = arith.extui %sign3A_105 : i1 to i32
    %sign3A_107 = arith.subi %sign3A_103, %sign3A_106 : i32
    %ne3A = vector.broadcast %sign3A_107 : i32 to vector<9x72xi32>
    %ne3A_108 = arith.cmpi ne, %sign3A_100, %ne3A : vector<9x72xi32>
    %rem3A = vector.broadcast %jit3A : i32 to vector<9x72xi32>
    %rem3A_109 = arith.remsi %iota3A, %rem3A : vector<9x72xi32>
    %ne3A_110 = arith.constant 0 : i32
    %ne3A_111 = vector.broadcast %ne3A_110 : i32 to vector<9x72xi32>
    %ne3A_112 = arith.cmpi ne, %rem3A_109, %ne3A_111 : vector<9x72xi32>
    %and3A = arith.andi %ne3A_108, %ne3A_112 : vector<9x72xi1>
    %sub3A = arith.constant 1 : i32
    %sub3A_113 = vector.broadcast %sub3A : i32 to vector<9x72xi32>
    %sub3A_114 = arith.subi %div3A_92, %sub3A_113 : vector<9x72xi32>
    %select_n3A = arith.select %and3A, %sub3A_114, %div3A_92 : vector<9x72xi1>, vector<9x72xi32>
    %eq3A = arith.cmpi eq, %select_n3A, %iota3A_91 : vector<9x72xi32>
    %jit3A_115 = arith.constant 1.000000e+00 : f32
    %jit3A_116 = arith.constant 0.000000e+00 : f32
    %broadcast_in_dim3A = vector.broadcast %jit3A_115 : f32 to vector<9x72xf32>
    %broadcast_in_dim3A_117 = vector.broadcast %jit3A_116 : f32 to vector<9x72xf32>
    %select_n3A_118 = arith.select %eq3A, %broadcast_in_dim3A, %broadcast_in_dim3A_117 : vector<9x72xi1>, vector<9x72xf32>
    %get3A_119 = arith.constant 0 : index
    %get3A_120 = arith.constant 0 : index
    %get3A_121 = vector.load %arg1[%get3A_119, %get3A_120] : memref<6272x9xf32, #tpu.memory_space<vmem>>, vector<6272x9xf32>
    %dot_general3A_122 = arith.constant dense<0.000000e+00> : vector<6272x72xf32>
    %dot_general3A_123 = tpu.matmul %get3A_121, %select_n3A_118, %dot_general3A_122 {dimension_numbers = #tpu.dot_dimension_numbers<[1], [0], [0], [1], [0, 0, 1, 1], [], []>, transpose_lhs_hint = false} : vector<6272x9xf32>, vector<9x72xf32>, vector<6272x72xf32> -> vector<6272x72xf32>
    %get3A_124 = arith.constant 0 : index
    %get3A_125 = arith.constant 0 : index
    %get3A_126 = vector.load %arg0[%get3A_124, %get3A_125] : memref<6272x72xf32, #tpu.memory_space<vmem>>, vector<6272x72xf32>
    %mul3A = arith.mulf %get3A_126, %dot_general3A_123 : vector<6272x72xf32>
    %dot_general3A_127 = arith.constant dense<0.000000e+00> : vector<6272x96xf32>
    %dot_general3A_128 = tpu.matmul %mul3A, %concatenate3A, %dot_general3A_127 {dimension_numbers = #tpu.dot_dimension_numbers<[1], [0], [0], [1], [0, 0, 1, 1], [], []>, transpose_lhs_hint = false} : vector<6272x72xf32>, vector<72x96xf32>, vector<6272x96xf32> -> vector<6272x96xf32>
    %get3A_129 = arith.constant 0 : index
    %get3A_130 = arith.constant 0 : index
    %get3A_131 = vector.load %arg5[%get3A_129, %get3A_130] : memref<1x96xf32, #tpu.memory_space<vmem>>, vector<1x96xf32>
    %dot_general3A_132 = arith.constant dense<0.000000e+00> : vector<1x96xf32>
    %dot_general3A_133 = tpu.matmul %get3A_131, %get3A_1, %dot_general3A_132 {dimension_numbers = #tpu.dot_dimension_numbers<[1], [1], [0], [0], [0, 0, 1, 0], [], []>, transpose_lhs_hint = false} : vector<1x96xf32>, vector<96x96xf32>, vector<1x96xf32> -> vector<1x96xf32>
    %add3A = vector.broadcast %dot_general3A_133 : vector<1x96xf32> to vector<6272x96xf32>
    %add3A_134 = arith.addf %dot_general3A_128, %add3A : vector<6272x96xf32>
    %swap3A = arith.constant 0 : index
    %swap3A_135 = arith.constant 0 : index
    %swap3A_136 = vector.load %arg6[%swap3A, %swap3A_135] : memref<6272x96xf32, #tpu.memory_space<vmem>>, vector<6272x96xf32>
    tpu.vector_store %arg6[%swap3A, %swap3A_135], %add3A_134 {strides = array<i32>} : memref<6272x96xf32, #tpu.memory_space<vmem>>, vector<6272x96xf32>,
    return
  }
}

</mosaic_0001>

<sc_bundles>
// kernel: kernel.6.cloned.1.call-start
scs
__scs_entry_jumppad:
0x0: {  	(pc) =	sbr.rel $0x88, $3  }
0x1: {  	(tag) =	ssettag $0x0;
	lr =	simm.s32 $0x1  }
0x2: {  	[smem:$0x3F9B] =	sst lr;
	_ =	strace $0xD0000000  }
0x3: {  	_ = 	snop  }
0x4: {  	_ = 	snop  }
0x5: {  	_ = 	snop  }
0x6: {  	_ = 	snop  }
0x7: {  	_ = 	snop  }
__scs_overlays_trampoline_lowered:
0x8: {  	[smem:$0x3FAA] =	sst s0  }
0x9: {  	[smem:$0x3FAB] =	sst s1  }
0xa: {  	[smem:$0x3FAC] =	sst s2  }
0xb: {  	[smem:$0x3FAD] =	sst s3  }
0xc: {  	[smem:$0x3FAE] =	sst s4  }
0xd: {  	[smem:$0x3FAF] =	sst s5  }
0xe: {  	[smem:$0x3FB0] =	sst s6  }
0xf: {  	[smem:$0x3FB1] =	sst s7  }
0x10: {  	[smem:$0x3FB2] =	sst s8  }
0x11: {  	[smem:$0x3FB3] =	sst s9;
	s0 =	simm.s32 @!p0 $0x0  }
0x12: {  	s1 =	sld [smem:$0x3F99];
	s0 =	simm.s32 @p0 $0x1  }
0x13: {  	[smem:$0x3FB4] =	sst s0;
	s0 =	simm.s32 @!p1 $0x0  }
0x14: {  	s2 =	sld [smem:$0x3F98];
	s0 =	simm.s32 @p1 $0x1  }
0x15: {  	[smem:$0x3FB5] =	sst s0;
	s0 =	simm.s32 @!p2 $0x0  }
0x16: {  	s3 =	sld [smem:$0x3FDB];
	s0 =	simm.s32 @p2 $0x1  }
0x17: {  	s4 =	simm.s32 $0x1BF5;
	[smem:$0x3FB7] =	sst s0  }
0x18: {  	s0 =	sld [smem:$0x3F9A];
	_ =	swait.ge [sflag:s4], $0x0  }
0x19: {  	s7 =	sld [smem:$0x3F9B]  }
0x1a: {  	s8 =	sadd.s32 $0xFFFFE003, lr  }
0x1b: {  	s9 =	sadd.s32 $0xFFFFFEF7, lr;
	s5 =	simm.s32 $0xFFFFFFFF;
	p2 =	slt.u32 s8, $0xFFFFF086  }
0x1c: {  	p1 =	slt.u32 s9, $0xF7A;
	s5 =	simm.s32 @!p2 $0x0  }
0x1d: {  	s5 =	simm.s32 @p1 $0x1;
	p0 =	seq.s32 s7, s2  }
0x1e: {  	s7 =	smul.u32 @!p0 $0xF7A, s2;
	p2 =	seq.s32 @!p0 s5, $0x0  }
0x1f: {  	s9 =	smul.u32 $0xF7A, s1;
	s8 =	simm.s32 @!p0 $0x1BF5;
	p2 =	por !p2, p0  }
0x20: {  	[sflag:s8] =	ssyncset.s32 @!p0 $0xFFFFF086;
	s6 =	sadd.s32 @!p0 s3, s7;
	s7 =	simm.s32 @!p0 $0x108  }
0x21: {  	s3 =	sadd.s32 s3, s9;
	s6 =	sadd.s32 @!p0 $0x88, s6;
	s7 =	simm.s32 @p2 $0x1082  }
0x22: {  	[simem:s7], [sflag:s8] =	dma.local @!p0 [hbm:s6], $0xF7A  }
0x23: {  	s9 =	sor.u32 $0xD0000000, s2;
	s6 =	simm.s32 $0x108;
	_ =	swait.ge @!p0 [sflag:s8], $0x0  }
0x24: {  	s3 =	sadd.s32 $0x88, s3;
	s6 =	simm.s32 @!p1 $0x1082;
	[sflag:s4] =	ssyncset.s32 $0xFFFFF086  }
0x25: {  	[simem:s6], [sflag:s4] =	dma.local [hbm:s3], $0xF7A  }
0x26: {  	[smem:$0x3F9B] =	sst s1;
	(tag) =	ssettag s2;
	_ =	strace s9  }
0x27: {  	s1 =	sld [smem:$0x3FAB]  }
0x28: {  	s2 =	sld [smem:$0x3FAC]  }
0x29: {  	s4 =	sld [smem:$0x3FAE]  }
0x2a: {  	p0 =	seq.s32 s5, $0x0;
	s5 =	sld [smem:$0x3FAF]  }
0x2b: {  	s6 =	sld [smem:$0x3FB0]  }
0x2c: {  	s7 =	sld [smem:$0x3FB1]  }
0x2d: {  	s3 =	simm.s32 $0x108;
	s8 =	sld [smem:$0x3FB2]  }
0x2e: {  	s3 =	simm.s32 @!p0 $0x1082;
	s9 =	sld [smem:$0x3FB3]  }
0x2f: {  	lr =	sadd.s32 s0, s3;
	s0 =	sld [smem:$0x3FAA]  }
0x30: {  	s3 =	sld [smem:$0x3FAD]  }
0x31: {  	[smem:$0x3FB6] =	sst s10  }
0x32: {  	s10 =	sld [smem:$0x3FB4];
	_ =	sdelay $0x3  }
0x33: {  	p0 =	seq.s32 s10, $0x1;
	s10 =	sld [smem:$0x3FB6];
	_ =	sdelay $0x3  }
0x34: {  	[smem:$0x3FB6] =	sst s10  }
0x35: {  	s10 =	sld [smem:$0x3FB5];
	_ =	sdelay $0x3  }
0x36: {  	p1 =	seq.s32 s10, $0x1;
	s10 =	sld [smem:$0x3FB6];
	_ =	sdelay $0x3  }
0x37: {  	[smem:$0x3FB6] =	sst s10  }
0x38: {  	s10 =	sld [smem:$0x3FB7]  }
0x39: {  	_ = 	snop;
	(pc) =	sbr.ind lr, $3  }
0x3a: {  	_ = 	snop  }
0x3b: {  	_ = 	snop  }
0x3c: {  	p2 =	seq.s32 s10, $0x1;
	s10 =	sld [smem:$0x3FB6]  }
0x3d: {  	_ =	shalt  }
0x3e: {  	_ =	shalt  }
0x3f: {  	_ =	shalt  }
0x40: {  	_ =	shalt  }
0x41: {  	_ =	shalt  }
0x42: {  	_ =	shalt  }
0x43: {  	_ =	shalt  }
0x44: {  	_ =	shalt  }
0x45: {  	_ =	shalt  }
0x46: {  	_ =	shalt  }
0x47: {  	_ =	shalt  }
0x48: {  	_ =	shalt  }
0x49: {  	_ =	shalt  }
0x4a: {  	_ =	shalt  }
0x4b: {  	_ =	shalt  }
0x4c: {  	_ =	shalt  }
0x4d: {  	_ =	shalt  }
0x4e: {  	_ =	shalt  }
0x4f: {  	_ =	shalt  }
0x50: {  	_ =	shalt  }
0x51: {  	_ =	shalt  }
0x52: {  	_ =	shalt  }
0x53: {  	_ =	shalt  }
0x54: {  	_ =	shalt  }
0x55: {  	_ =	shalt  }
0x56: {  	_ =	shalt  }
0x57: {  	_ =	shalt  }
0x58: {  	_ =	shalt  }
0x59: {  	_ =	shalt  }
0x5a: {  	_ =	shalt  }
0x5b: {  	_ =	shalt  }
0x5c: {  	_ =	shalt  }
0x5d: {  	_ =	shalt  }
0x5e: {  	_ =	shalt  }
0x5f: {  	_ =	shalt  }
0x60: {  	_ =	shalt  }
0x61: {  	_ =	shalt  }
0x62: {  	_ =	shalt  }
0x63: {  	_ =	shalt  }
0x64: {  	_ =	shalt  }
0x65: {  	_ =	shalt  }
0x66: {  	_ =	shalt  }
0x67: {  	_ =	shalt  }
0x68: {  	_ =	shalt  }
0x69: {  	_ =	shalt  }
0x6a: {  	_ =	shalt  }
0x6b: {  	_ =	shalt  }
0x6c: {  	_ =	shalt  }
0x6d: {  	_ =	shalt  }
0x6e: {  	_ =	shalt  }
0x6f: {  	_ =	shalt  }
0x70: {  	_ =	shalt  }
0x71: {  	_ =	shalt  }
0x72: {  	_ =	shalt  }
0x73: {  	_ =	shalt  }
0x74: {  	_ =	shalt  }
0x75: {  	_ =	shalt  }
0x76: {  	_ =	shalt  }
0x77: {  	_ =	shalt  }
0x78: {  	_ =	shalt  }
0x79: {  	_ =	shalt  }
0x7a: {  	_ =	shalt  }
0x7b: {  	_ =	shalt  }
0x7c: {  	_ =	shalt  }
0x7d: {  	_ =	shalt  }
0x7e: {  	_ =	shalt  }
0x7f: {  	_ =	shalt  }
0x80: {  	_ =	shalt  }
0x81: {  	_ =	shalt  }
0x82: {  	_ =	shalt  }
0x83: {  	_ =	shalt  }
0x84: {  	_ =	shalt  }
0x85: {  	_ =	shalt  }
0x86: {  	_ =	shalt  }
0x87: {  	_ =	shalt  }
.Lfunc_end0:
.L_simem_size_0:
called_computation_lowered:
.L_overlay_start_0:
0x88: {  	s2 =	sld [smem:$0x3FD9]  }
0x89: {  	s3 =	sld [smem:$0x3FFE];
	_ =	sdelay $0x1  }
0x8a: {  	s1 =	srdreg.scid  }
0x8b: {  	s0 =	sand.u32 $0x1, s1  }
0x8c: {  	s17 =	sshll.u32 s0, $0xA;
	s2 =	sadd.s32 s3, s2  }
0x8d: {  	s2 =	sadd.s32 s2, s17  }
0x8e: {  	[smem:$0x3FC2] =	sst s2  }
0x8f: {  	_ = 	snop  }
0x90: {  	s2 =	sld [smem:$0x3FD0];
	(tm) =	ssettm $0x1  }
0x91: {  	s18 =	sld [smem:$0x3FFB];
	_ =	sdelay $0x3  }
0x92: {  	_ =	strace s18  }
0x93: {  	s3 =	sld [smem:$0x3FFC];
	_ =	sdelay $0x3  }
0x94: {  	_ =	strace s3  }
0x95: {  	s3 =	sld [smem:$0x3FFD];
	_ =	sdelay $0x3  }
0x96: {  	_ =	strace s3  }
0x97: {  	_ =	strace $0x8FFFFFFF  }
0x98: {  	s19 =	sld [smem:$0x3FDB];
	_ =	sdelay $0x1  }
0x99: {  	s4 =	simm.s32 $_scs_section_size  }
0x9a: {  	s5 =	simm.s32 $_size__tile_overlayer_lowered;
	s6 =	simm.s32 $_tile_overlayer_lowered  }
0x9b: {  	s22 =	simm.s32 $0x1BFF;
	s21 =	sshll.u32 s6, $0x1;
	s3 =	sadd.s32 s4, s19  }
0x9c: {  	s7 =	simm.s32 $0x0;
	s20 =	sshll.u32 s5, $0x1;
	s5 =	sadd.s32 s21, s3  }
0x9d: {  	[timem:s7], [sflag:s22] =	dma.local [hbm:s5], s20  }
0x9e: {  	_ =	swait.ge [sflag:s22], s20  }
0x9f: {  	s4 =	ssub.s32 $0x0, s20;
	[sflag:s22] =	ssyncset.done $0x0  }
0xa0: {  	[sflag:s22] =	ssyncadd.s32 s4;
	_ =	sdelay $0x1  }
0xa1: {  	s23 =	simm.s32 $0x1B8B  }
0xa2: {  	_ =	swait.ge [sflag:s23], $0x1  }
0xa3: {  	[sflag:s23] =	ssyncset.done $0x0  }
0xa4: {  	s25 =	simm.s32 $0x1B8E;
	s24 =	sld [smem:$0x3FFE];
	[sflag:s23] =	ssyncadd.s32 $0xFFFFFFFF  }
0xa5: {  	s26 =	simm.s32 $execute0_lowered;
	[smem:$0x3FD2] =	sst s25  }
0xa6: {  	s5 =	sshll.u32 s26, $0x1;
	_ =	strace $0x80000046;
	[dreg:$0x1] =	wrdreg $0xFFFFFFFF  }
0xa7: {  	s28 =	simm.s32 $_size_execute0_lowered;
	s3 =	sadd.s32 s3, s5;
	[dreg:$0x0] =	wrdreg $0x0  }
0xa8: {  	s5 =	sshll.u32 s28, $0x1;
	[dreg:$0x2] =	wrdreg s3  }
0xa9: {  	[dreg:$0x3] =	wrdreg s5  }
0xaa: {  	[dreg:$0x4] =	wrdreg $0xC0  }
0xab: {  	_ =	task [dreg:s7], $0x5FFFF  }
0xac: {  	[dreg:$0x1] =	wrdreg $0xFFFFFFFF  }
0xad: {  	[dreg:$0x0] =	wrdreg $0x60  }
0xae: {  	[dreg:$0x2] =	wrdreg s24  }
0xaf: {  	[dreg:$0x3] =	wrdreg s2  }
0xb0: {  	[dreg:$0x4] =	wrdreg $0x9  }
0xb1: {  	_ =	task.clear_ibuf [dreg:s7], $0x5FFFF;
	_ =	strace $0x90000046  }
0xb2: {  	s29 =	simm.s32 $0x9;
	_ =	strace $0x80000048  }
0xb3: {  	_ =	swait.ge [sflag:s29], $0x1  }
0xb4: {  	[sflag:s29] =	ssyncadd.s32 $0xFFFFFFFF  }
0xb5: {  	_ =	strace $0x90000048  }
0xb6: {  	_ =	sfence  }
0xb7: {  	s30 =	sld [smem:$0x0];
	_ =	sdelay $0x2  }
0xb8: {  	s31 =	sshll.u32 s1, $0xD;
	s1 =	sshrl.u32 s1, $0x2  }
0xb9: {  	s3 =	sand.u32 $0x4000, s31;
	s1 =	sadd.s32 s1, s30  }
0xba: {  	s0 =	sor.u32 s3, s0;
	s1 =	sshll.u32 s1, $0x11  }
0xbb: {  	s0 =	sor.u32 s1, s0  }
0xbc: {  	s0 =	sadd.s32 $0x8F2B, s0  }
0xbd: {  	[sflag:s0] =	ssyncadd.remote.s32 $0x1  }
0xbe: {  	_ =	sfence.sel $0xFFFF  }
0xbf: {  	[dreg:$0x0] =	wrdreg $0xFFFFFFFF;
	(pc) =	sbr.abs _section_cstart, $3  }
0xc0: {  	[dreg:$0x1] =	wrdreg $0xFFFFFFFF  }
0xc1: {  	_ =	task.clear_ibuf [dreg:s7], $0x2FFFF;
	_ =	strace $0x9FFFFFFF  }
0xc2: {  	(tm) =	ssettm $0x7FFFFFFF  }
0xc3: {  	_ =	shalt  }
tec
execute0_lowered:
.L_overlay_start_1:
0x0: {  	(tag) =	ssettag $0x1  }
0x1: {  	v0 =	vlaneseq.u32  }
0x2: {  	v1 =	vmul.u32 $0x8, v0;
	v11 =	vor.u32 $0x10, v0;
	v20 =	vor.u32 $0x20, v0  }
0x3: {  	v32 =	vor.u32 $0x30, v0;
	v38 =	vor.u32 $0x40, v0;
	v46 =	vor.u32 $0x50, v0  }
0x4: {  	v54 =	vor.u32 $0x60, v0;
	v63 =	vor.u32 $0x70, v0;
	v4 =	vor.u32 $0x1, v1  }
0x5: {  	v5 =	vor.u32 $0x2, v1;
	v6 =	vor.u32 $0x3, v1;
	v7 =	vor.u32 $0x4, v1  }
0x6: {  	v8 =	vor.u32 $0x5, v1;
	v9 =	vor.u32 $0x6, v1;
	v10 =	vor.u32 $0x7, v1  }
0x7: {  	v12 =	vor.u32 $0x80, v1;
	v13 =	vor.u32 $0x81, v1;
	v14 =	vor.u32 $0x82, v1  }
0x8: {  	v15 =	vor.u32 $0x83, v1;
	v16 =	vor.u32 $0x84, v1;
	v17 =	vor.u32 $0x85, v1  }
0x9: {  	v18 =	vor.u32 $0x86, v1;
	v19 =	vor.u32 $0x87, v1;
	v21 =	vor.u32 $0x100, v1  }
0xa: {  	v22 =	vor.u32 $0x101, v1;
	v23 =	vor.u32 $0x102, v1;
	v24 =	vor.u32 $0x103, v1  }
0xb: {  	v25 =	vor.u32 $0x104, v1;
	v26 =	vor.u32 $0x105, v1;
	v27 =	vor.u32 $0x106, v1  }
0xc: {  	s4 =	rddreg [dreg:$0x0];
	v28 =	vor.u32 $0x107, v1;
	v36 =	vor.u32 $0x180, v1;
	v29 =	vor.u32 $0x181, v1  }
0xd: {  	s5 =	rddreg [dreg:$0x1];
	v30 =	vor.u32 $0x182, v1;
	v31 =	vor.u32 $0x183, v1;
	v34 =	vor.u32 $0x184, v1  }
0xe: {  	s0 =	rddreg [dreg:$0x2];
	v33 =	vor.u32 $0x185, v1;
	v37 =	vor.u32 $0x186, v1;
	v35 =	vor.u32 $0x187, v1  }
0xf: {  	s1 =	simm.s32 $0x0;
	s3 =	srdreg.scid;
	s2 =	stileid.u32;
	v39 =	vor.u32 $0x200, v1;
	v41 =	vor.u32 $0x201, v1;
	v40 =	vor.u32 $0x202, v1  }
0x10: {  	s10 =	simm.s32 $0x0;
	[smem:$0x7FF] =	sst s1;
	s6 =	sand.u32 $0x1, s3;
	v43 =	vor.u32 $0x203, v1;
	v42 =	vor.u32 $0x204, v1;
	v44 =	vor.u32 $0x205, v1  }
0x11: {  	s7 =	sshll.u32 s2, $0x9;
	s3 =	sadd.s32 $0x1600, s4;
	s31 =	sshll.u32 s2, $0xC;
	v45 =	vor.u32 $0x206, v1;
	v47 =	vor.u32 $0x207, v1;
	v49 =	vor.u32 $0x280, v1  }
0x12: {  	_ =	strace $0x80000047;
	s8 =	sshll.u32 s6, $0x8;
	s9 =	ssub.s32 $0x2, s6;
	v48 =	vor.u32 $0x281, v1;
	v50 =	vor.u32 $0x282, v1;
	v2 =	vor.u32 $0x283, v1  }
0x13: {  	s6 =	sshll.u32 s6, $0xB;
	[tilespmem:$0x1FFE0] =	vst v63;
	s7 =	sor.u32 s8, s7;
	s29 =	sshrl.u32 s9, $0x1;
	v51 =	vor.u32 $0x285, v1;
	v52 =	vor.u32 $0x286, v1;
	v53 =	vor.u32 $0x287, v1  }
0x14: {  	s8 =	sadd.s32 s31, s5;
	v55 =	vor.u32 $0x300, v1;
	v56 =	vor.u32 $0x301, v1;
	v57 =	vor.u32 $0x302, v1;
	[tilespmem:$0x1FFC0] =	vst v2;
	s4 =	sadd.s32 s7, s4;
	s30 =	ssub.s32 s9, s29  }
0x15: {  	v58 =	vor.u32 $0x303, v1;
	v59 =	vor.u32 $0x304, v1;
	v2 =	vor.u32 $0x284, v1;
	s6 =	sadd.s32 s6, s8;
	s7 =	simm.s32 $0xC400;
	s8 =	simm.s32 $0x1;
	[tilespmem:$0x1FFF0] =	vst v4  }
0x16: {  	v60 =	vor.u32 $0x305, v1;
	v61 =	vor.u32 $0x306, v1;
	v62 =	vor.u32 $0x307, v1;
	s9 =	simm.s32 $0xCC00;
	[tilespmem:$0x1FFD0] =	vst v2;
	s4 =	sadd.s32 $0x3000, s4;
	s5 =	smax.u32 s30, $0x1  }
.LBB2_1:
0x17: {  	[tilespmem:s7], [sflag:$0x1] =	stream.linear.gather [hbm4b:s4+s1], $0x800, $0x38;
	[tilespmem:$0xD000] =	vst v63  }
0x18: {  	_ =	swait.ge [sflag:s8], $0x800  }
0x19: {  	[sflag:s8] =	ssyncset.done $0x0  }
0x1a: {  	[sflag:s8] =	ssyncadd.s32 $0xFFFFF800  }
0x1b: {  	[tilespmem:s1], [sflag:$0x1] =	stream.linear.gather [hbm4b:s3+s1], $0xC400, $0x38;
	[tilespmem:$0xD000] =	vst v63  }
0x1c: {  	_ =	swait.ge [sflag:s8], $0xC400  }
0x1d: {  	[sflag:s8] =	ssyncset.done $0x0  }
0x1e: {  	s11 =	simm.s32 $0x0;
	[sflag:s8] =	ssyncadd.s32 $0xFFFF3C00  }
.LBB2_2:
0x1f: {  	v0 =	vlaneseq.u32  }
0x20: {  	v0 =	vor.u32 s11, v0;
	_ =	sdelay $0x4  }
0x21: {  	v0 =	vld.idx.msk [tilespmem:v0+s7+$0x0], $0xffff;
	_ =	sdelay $0x4  }
0x22: {  	v0 =	vshll.u32 v0, $0x3;
	_ =	sdelay $0x4  }
0x23: {  	v2 =	vld.idx.msk [tilespmem:v0+s1+$0x0], $0xffff  }
0x24: {  	v3 =	vor.u32 $0x1, v0;
	_ =	sdelay $0x3  }
0x25: {  	[tilespmem:v1+s9+$0x0] =	vst.idx.msk $0xffff, v2  }
0x26: {  	v2 =	vld.idx.msk [tilespmem:v3+s1+$0x0], $0xffff  }
0x27: {  	v3 =	vor.u32 $0x2, v0;
	_ =	sdelay $0x3  }
0x28: {  	[tilespmem:v4+s9+$0x0] =	vst.idx.msk $0xffff, v2  }
0x29: {  	v2 =	vld.idx.msk [tilespmem:v3+s1+$0x0], $0xffff  }
0x2a: {  	v3 =	vor.u32 $0x3, v0;
	_ =	sdelay $0x3  }
0x2b: {  	[tilespmem:v5+s9+$0x0] =	vst.idx.msk $0xffff, v2  }
0x2c: {  	v2 =	vld.idx.msk [tilespmem:v3+s1+$0x0], $0xffff  }
0x2d: {  	v3 =	vor.u32 $0x4, v0;
	_ =	sdelay $0x3  }
0x2e: {  	[tilespmem:v6+s9+$0x0] =	vst.idx.msk $0xffff, v2  }
0x2f: {  	v2 =	vld.idx.msk [tilespmem:v3+s1+$0x0], $0xffff  }
0x30: {  	v3 =	vor.u32 $0x5, v0;
	_ =	sdelay $0x3  }
0x31: {  	[tilespmem:v7+s9+$0x0] =	vst.idx.msk $0xffff, v2  }
0x32: {  	v2 =	vld.idx.msk [tilespmem:v3+s1+$0x0], $0xffff  }
0x33: {  	v3 =	vor.u32 $0x6, v0;
	_ =	sdelay $0x3  }
0x34: {  	[tilespmem:v8+s9+$0x0] =	vst.idx.msk $0xffff, v2  }
0x35: {  	v2 =	vld.idx.msk [tilespmem:v3+s1+$0x0], $0xffff  }
0x36: {  	v0 =	vor.u32 $0x7, v0;
	_ =	sdelay $0x3  }
0x37: {  	[tilespmem:v9+s9+$0x0] =	vst.idx.msk $0xffff, v2  }
0x38: {  	v0 =	vld.idx.msk [tilespmem:v0+s1+$0x0], $0xffff  }
0x39: {  	v2 =	vor.u32 s11, v11;
	_ =	sdelay $0x3  }
0x3a: {  	[tilespmem:v10+s9+$0x0] =	vst.idx.msk $0xffff, v0  }
0x3b: {  	v0 =	vld.idx.msk [tilespmem:v2+s7+$0x0], $0xffff;
	_ =	sdelay $0x4  }
0x3c: {  	v0 =	vshll.u32 v0, $0x3;
	_ =	sdelay $0x4  }
0x3d: {  	v2 =	vld.idx.msk [tilespmem:v0+s1+$0x0], $0xffff  }
0x3e: {  	v3 =	vor.u32 $0x1, v0;
	_ =	sdelay $0x3  }
0x3f: {  	[tilespmem:v12+s9+$0x0] =	vst.idx.msk $0xffff, v2  }
0x40: {  	v2 =	vld.idx.msk [tilespmem:v3+s1+$0x0], $0xffff  }
0x41: {  	v3 =	vor.u32 $0x2, v0;
	_ =	sdelay $0x3  }
0x42: {  	[tilespmem:v13+s9+$0x0] =	vst.idx.msk $0xffff, v2  }
0x43: {  	v2 =	vld.idx.msk [tilespmem:v3+s1+$0x0], $0xffff  }
0x44: {  	v3 =	vor.u32 $0x3, v0;
	_ =	sdelay $0x3  }
0x45: {  	[tilespmem:v14+s9+$0x0] =	vst.idx.msk $0xffff, v2  }
0x46: {  	v2 =	vld.idx.msk [tilespmem:v3+s1+$0x0], $0xffff  }
0x47: {  	v3 =	vor.u32 $0x4, v0;
	_ =	sdelay $0x3  }
0x48: {  	[tilespmem:v15+s9+$0x0] =	vst.idx.msk $0xffff, v2  }
0x49: {  	v2 =	vld.idx.msk [tilespmem:v3+s1+$0x0], $0xffff  }
0x4a: {  	v3 =	vor.u32 $0x5, v0;
	_ =	sdelay $0x3  }
0x4b: {  	[tilespmem:v16+s9+$0x0] =	vst.idx.msk $0xffff, v2  }
0x4c: {  	v2 =	vld.idx.msk [tilespmem:v3+s1+$0x0], $0xffff  }
0x4d: {  	v3 =	vor.u32 $0x6, v0;
	_ =	sdelay $0x3  }
0x4e: {  	[tilespmem:v17+s9+$0x0] =	vst.idx.msk $0xffff, v2  }
0x4f: {  	v2 =	vld.idx.msk [tilespmem:v3+s1+$0x0], $0xffff  }
0x50: {  	v0 =	vor.u32 $0x7, v0;
	_ =	sdelay $0x3  }
0x51: {  	[tilespmem:v18+s9+$0x0] =	vst.idx.msk $0xffff, v2  }
0x52: {  	v0 =	vld.idx.msk [tilespmem:v0+s1+$0x0], $0xffff  }
0x53: {  	v2 =	vor.u32 s11, v20;
	_ =	sdelay $0x3  }
0x54: {  	[tilespmem:v19+s9+$0x0] =	vst.idx.msk $0xffff, v0  }
0x55: {  	v0 =	vld.idx.msk [tilespmem:v2+s7+$0x0], $0xffff;
	_ =	sdelay $0x4  }
0x56: {  	v0 =	vshll.u32 v0, $0x3;
	_ =	sdelay $0x4  }
0x57: {  	v2 =	vld.idx.msk [tilespmem:v0+s1+$0x0], $0xffff  }
0x58: {  	v3 =	vor.u32 $0x1, v0;
	_ =	sdelay $0x3  }
0x59: {  	[tilespmem:v21+s9+$0x0] =	vst.idx.msk $0xffff, v2  }
0x5a: {  	v2 =	vld.idx.msk [tilespmem:v3+s1+$0x0], $0xffff  }
0x5b: {  	v3 =	vor.u32 $0x2, v0;
	_ =	sdelay $0x3  }
0x5c: {  	[tilespmem:v22+s9+$0x0] =	vst.idx.msk $0xffff, v2  }
0x5d: {  	v2 =	vld.idx.msk [tilespmem:v3+s1+$0x0], $0xffff  }
0x5e: {  	v3 =	vor.u32 $0x3, v0;
	_ =	sdelay $0x3  }
0x5f: {  	[tilespmem:v23+s9+$0x0] =	vst.idx.msk $0xffff, v2  }
0x60: {  	v2 =	vld.idx.msk [tilespmem:v3+s1+$0x0], $0xffff  }
0x61: {  	v3 =	vor.u32 $0x4, v0;
	_ =	sdelay $0x3  }
0x62: {  	[tilespmem:v24+s9+$0x0] =	vst.idx.msk $0xffff, v2  }
0x63: {  	v2 =	vld.idx.msk [tilespmem:v3+s1+$0x0], $0xffff  }
0x64: {  	v3 =	vor.u32 $0x5, v0;
	_ =	sdelay $0x3  }
0x65: {  	[tilespmem:v25+s9+$0x0] =	vst.idx.msk $0xffff, v2  }
0x66: {  	v2 =	vld.idx.msk [tilespmem:v3+s1+$0x0], $0xffff  }
0x67: {  	v3 =	vor.u32 $0x6, v0;
	_ =	sdelay $0x3  }
0x68: {  	[tilespmem:v26+s9+$0x0] =	vst.idx.msk $0xffff, v2  }
0x69: {  	v2 =	vld.idx.msk [tilespmem:v3+s1+$0x0], $0xffff  }
0x6a: {  	v0 =	vor.u32 $0x7, v0;
	_ =	sdelay $0x3  }
0x6b: {  	[tilespmem:v27+s9+$0x0] =	vst.idx.msk $0xffff, v2  }
0x6c: {  	v0 =	vld.idx.msk [tilespmem:v0+s1+$0x0], $0xffff  }
0x6d: {  	v2 =	vor.u32 s11, v32;
	_ =	sdelay $0x3  }
0x6e: {  	[tilespmem:v28+s9+$0x0] =	vst.idx.msk $0xffff, v0  }
0x6f: {  	v0 =	vld.idx.msk [tilespmem:v2+s7+$0x0], $0xffff;
	_ =	sdelay $0x4  }
0x70: {  	v0 =	vshll.u32 v0, $0x3;
	_ =	sdelay $0x4  }
0x71: {  	v2 =	vld.idx.msk [tilespmem:v0+s1+$0x0], $0xffff  }
0x72: {  	v3 =	vor.u32 $0x1, v0;
	_ =	sdelay $0x3  }
0x73: {  	[tilespmem:v36+s9+$0x0] =	vst.idx.msk $0xffff, v2  }
0x74: {  	v2 =	vld.idx.msk [tilespmem:v3+s1+$0x0], $0xffff  }
0x75: {  	v3 =	vor.u32 $0x2, v0;
	_ =	sdelay $0x3  }
0x76: {  	[tilespmem:v29+s9+$0x0] =	vst.idx.msk $0xffff, v2  }
0x77: {  	v2 =	vld.idx.msk [tilespmem:v3+s1+$0x0], $0xffff  }
0x78: {  	v3 =	vor.u32 $0x3, v0;
	_ =	sdelay $0x3  }
0x79: {  	[tilespmem:v30+s9+$0x0] =	vst.idx.msk $0xffff, v2  }
0x7a: {  	v2 =	vld.idx.msk [tilespmem:v3+s1+$0x0], $0xffff  }
0x7b: {  	v3 =	vor.u32 $0x4, v0;
	_ =	sdelay $0x3  }
0x7c: {  	[tilespmem:v31+s9+$0x0] =	vst.idx.msk $0xffff, v2  }
0x7d: {  	v2 =	vld.idx.msk [tilespmem:v3+s1+$0x0], $0xffff  }
0x7e: {  	v3 =	vor.u32 $0x5, v0;
	_ =	sdelay $0x3  }
0x7f: {  	[tilespmem:v34+s9+$0x0] =	vst.idx.msk $0xffff, v2  }
0x80: {  	v2 =	vld.idx.msk [tilespmem:v3+s1+$0x0], $0xffff  }
0x81: {  	v3 =	vor.u32 $0x6, v0;
	_ =	sdelay $0x3  }
0x82: {  	[tilespmem:v33+s9+$0x0] =	vst.idx.msk $0xffff, v2  }
0x83: {  	v2 =	vld.idx.msk [tilespmem:v3+s1+$0x0], $0xffff  }
0x84: {  	v0 =	vor.u32 $0x7, v0;
	_ =	sdelay $0x3  }
0x85: {  	[tilespmem:v37+s9+$0x0] =	vst.idx.msk $0xffff, v2  }
0x86: {  	v0 =	vld.idx.msk [tilespmem:v0+s1+$0x0], $0xffff  }
0x87: {  	v2 =	vor.u32 s11, v38;
	_ =	sdelay $0x3  }
0x88: {  	[tilespmem:v35+s9+$0x0] =	vst.idx.msk $0xffff, v0  }
0x89: {  	v0 =	vld.idx.msk [tilespmem:v2+s7+$0x0], $0xffff;
	_ =	sdelay $0x4  }
0x8a: {  	v0 =	vshll.u32 v0, $0x3;
	_ =	sdelay $0x4  }
0x8b: {  	v2 =	vld.idx.msk [tilespmem:v0+s1+$0x0], $0xffff  }
0x8c: {  	v3 =	vor.u32 $0x1, v0;
	_ =	sdelay $0x3  }
0x8d: {  	[tilespmem:v39+s9+$0x0] =	vst.idx.msk $0xffff, v2  }
0x8e: {  	v2 =	vld.idx.msk [tilespmem:v3+s1+$0x0], $0xffff  }
0x8f: {  	v3 =	vor.u32 $0x2, v0;
	_ =	sdelay $0x3  }
0x90: {  	[tilespmem:v41+s9+$0x0] =	vst.idx.msk $0xffff, v2  }
0x91: {  	v2 =	vld.idx.msk [tilespmem:v3+s1+$0x0], $0xffff  }
0x92: {  	v3 =	vor.u32 $0x3, v0;
	_ =	sdelay $0x3  }
0x93: {  	[tilespmem:v40+s9+$0x0] =	vst.idx.msk $0xffff, v2  }
0x94: {  	v2 =	vld.idx.msk [tilespmem:v3+s1+$0x0], $0xffff  }
0x95: {  	v3 =	vor.u32 $0x4, v0;
	_ =	sdelay $0x3  }
0x96: {  	[tilespmem:v43+s9+$0x0] =	vst.idx.msk $0xffff, v2  }
0x97: {  	v2 =	vld.idx.msk [tilespmem:v3+s1+$0x0], $0xffff  }
0x98: {  	v3 =	vor.u32 $0x5, v0;
	_ =	sdelay $0x3  }
0x99: {  	[tilespmem:v42+s9+$0x0] =	vst.idx.msk $0xffff, v2  }
0x9a: {  	v2 =	vld.idx.msk [tilespmem:v3+s1+$0x0], $0xffff  }
0x9b: {  	v3 =	vor.u32 $0x6, v0;
	_ =	sdelay $0x3  }
0x9c: {  	[tilespmem:v44+s9+$0x0] =	vst.idx.msk $0xffff, v2  }
0x9d: {  	v2 =	vld.idx.msk [tilespmem:v3+s1+$0x0], $0xffff  }
0x9e: {  	v0 =	vor.u32 $0x7, v0;
	_ =	sdelay $0x3  }
0x9f: {  	[tilespmem:v45+s9+$0x0] =	vst.idx.msk $0xffff, v2  }
0xa0: {  	v0 =	vld.idx.msk [tilespmem:v0+s1+$0x0], $0xffff  }
0xa1: {  	v2 =	vor.u32 s11, v46;
	_ =	sdelay $0x3  }
0xa2: {  	[tilespmem:v47+s9+$0x0] =	vst.idx.msk $0xffff, v0  }
0xa3: {  	v0 =	vld.idx.msk [tilespmem:v2+s7+$0x0], $0xffff;
	_ =	sdelay $0x4  }
0xa4: {  	v0 =	vshll.u32 v0, $0x3;
	_ =	sdelay $0x4  }
0xa5: {  	v2 =	vld.idx.msk [tilespmem:v0+s1+$0x0], $0xffff  }
0xa6: {  	v3 =	vor.u32 $0x1, v0;
	_ =	sdelay $0x3  }
0xa7: {  	[tilespmem:v49+s9+$0x0] =	vst.idx.msk $0xffff, v2  }
0xa8: {  	v2 =	vld.idx.msk [tilespmem:v3+s1+$0x0], $0xffff  }
0xa9: {  	v3 =	vor.u32 $0x2, v0;
	_ =	sdelay $0x3  }
0xaa: {  	[tilespmem:v48+s9+$0x0] =	vst.idx.msk $0xffff, v2  }
0xab: {  	v2 =	vld.idx.msk [tilespmem:v3+s1+$0x0], $0xffff  }
0xac: {  	v3 =	vor.u32 $0x3, v0;
	_ =	sdelay $0x1  }
0xad: {  	v4 =	vld [tilespmem:$0x1FFC0];
	_ =	sdelay $0x1  }
0xae: {  	[tilespmem:v50+s9+$0x0] =	vst.idx.msk $0xffff, v2  }
0xaf: {  	v2 =	vld.idx.msk [tilespmem:v3+s1+$0x0], $0xffff;
	_ =	sdelay $0x2  }
0xb0: {  	v3 =	vor.u32 $0x4, v0;
	_ =	sdelay $0x1  }
0xb1: {  	[tilespmem:v4+s9+$0x0] =	vst.idx.msk $0xffff, v2;
	v4 =	vld [tilespmem:$0x1FFD0];
	_ =	sdelay $0x2  }
0xb2: {  	v2 =	vld.idx.msk [tilespmem:v3+s1+$0x0], $0xffff  }
0xb3: {  	v3 =	vor.u32 $0x5, v0;
	_ =	sdelay $0x3  }
0xb4: {  	[tilespmem:v4+s9+$0x0] =	vst.idx.msk $0xffff, v2  }
0xb5: {  	v2 =	vld.idx.msk [tilespmem:v3+s1+$0x0], $0xffff  }
0xb6: {  	v3 =	vor.u32 $0x6, v0;
	_ =	sdelay $0x3  }
0xb7: {  	[tilespmem:v51+s9+$0x0] =	vst.idx.msk $0xffff, v2  }
0xb8: {  	v2 =	vld.idx.msk [tilespmem:v3+s1+$0x0], $0xffff  }
0xb9: {  	v0 =	vor.u32 $0x7, v0;
	_ =	sdelay $0x3  }
0xba: {  	[tilespmem:v52+s9+$0x0] =	vst.idx.msk $0xffff, v2  }
0xbb: {  	v0 =	vld.idx.msk [tilespmem:v0+s1+$0x0], $0xffff  }
0xbc: {  	v2 =	vor.u32 s11, v54;
	_ =	sdelay $0x3  }
0xbd: {  	[tilespmem:v53+s9+$0x0] =	vst.idx.msk $0xffff, v0  }
0xbe: {  	v0 =	vld.idx.msk [tilespmem:v2+s7+$0x0], $0xffff;
	_ =	sdelay $0x4  }
0xbf: {  	v0 =	vshll.u32 v0, $0x3;
	_ =	sdelay $0x4  }
0xc0: {  	v2 =	vld.idx.msk [tilespmem:v0+s1+$0x0], $0xffff  }
0xc1: {  	v3 =	vor.u32 $0x1, v0;
	_ =	sdelay $0x3  }
0xc2: {  	[tilespmem:v55+s9+$0x0] =	vst.idx.msk $0xffff, v2  }
0xc3: {  	v2 =	vld.idx.msk [tilespmem:v3+s1+$0x0], $0xffff  }
0xc4: {  	v3 =	vor.u32 $0x2, v0;
	_ =	sdelay $0x3  }
0xc5: {  	[tilespmem:v56+s9+$0x0] =	vst.idx.msk $0xffff, v2  }
0xc6: {  	v2 =	vld.idx.msk [tilespmem:v3+s1+$0x0], $0xffff  }
0xc7: {  	v3 =	vor.u32 $0x3, v0;
	_ =	sdelay $0x3  }
0xc8: {  	[tilespmem:v57+s9+$0x0] =	vst.idx.msk $0xffff, v2  }
0xc9: {  	v2 =	vld.idx.msk [tilespmem:v3+s1+$0x0], $0xffff  }
0xca: {  	v3 =	vor.u32 $0x4, v0;
	_ =	sdelay $0x3  }
0xcb: {  	[tilespmem:v58+s9+$0x0] =	vst.idx.msk $0xffff, v2  }
0xcc: {  	v2 =	vld.idx.msk [tilespmem:v3+s1+$0x0], $0xffff  }
0xcd: {  	v3 =	vor.u32 $0x5, v0;
	_ =	sdelay $0x3  }
0xce: {  	[tilespmem:v59+s9+$0x0] =	vst.idx.msk $0xffff, v2  }
0xcf: {  	v2 =	vld.idx.msk [tilespmem:v3+s1+$0x0], $0xffff  }
0xd0: {  	v3 =	vor.u32 $0x6, v0;
	_ =	sdelay $0x3  }
0xd1: {  	[tilespmem:v60+s9+$0x0] =	vst.idx.msk $0xffff, v2  }
0xd2: {  	v2 =	vld.idx.msk [tilespmem:v3+s1+$0x0], $0xffff  }
0xd3: {  	v0 =	vor.u32 $0x7, v0;
	_ =	sdelay $0x3  }
0xd4: {  	[tilespmem:v61+s9+$0x0] =	vst.idx.msk $0xffff, v2  }
0xd5: {  	v0 =	vld.idx.msk [tilespmem:v0+s1+$0x0], $0xffff  }
0xd6: {  	v2 =	vor.u32 s11, v63;
	_ =	sdelay $0x3  }
0xd7: {  	[tilespmem:v62+s9+$0x0] =	vst.idx.msk $0xffff, v0  }
0xd8: {  	v0 =	vld.idx.msk [tilespmem:v2+s7+$0x0], $0xffff;
	_ =	sdelay $0x4  }
0xd9: {  	v0 =	vshll.u32 v0, $0x3;
	_ =	sdelay $0x4  }
0xda: {  	v3 =	vor.u32 $0x380, v1;
	v2 =	vld.idx.msk [tilespmem:v0+s1+$0x0], $0xffff  }
0xdb: {  	v4 =	vor.u32 $0x1, v0;
	_ =	sdelay $0x3  }
0xdc: {  	[tilespmem:v3+s9+$0x0] =	vst.idx.msk $0xffff, v2  }
0xdd: {  	v3 =	vor.u32 $0x381, v1;
	v2 =	vld.idx.msk [tilespmem:v4+s1+$0x0], $0xffff  }
0xde: {  	v4 =	vor.u32 $0x2, v0;
	_ =	sdelay $0x3  }
0xdf: {  	[tilespmem:v3+s9+$0x0] =	vst.idx.msk $0xffff, v2  }
0xe0: {  	v3 =	vor.u32 $0x382, v1;
	v2 =	vld.idx.msk [tilespmem:v4+s1+$0x0], $0xffff  }
0xe1: {  	v4 =	vor.u32 $0x3, v0;
	_ =	sdelay $0x3  }
0xe2: {  	[tilespmem:v3+s9+$0x0] =	vst.idx.msk $0xffff, v2  }
0xe3: {  	v3 =	vor.u32 $0x383, v1;
	v2 =	vld.idx.msk [tilespmem:v4+s1+$0x0], $0xffff  }
0xe4: {  	v4 =	vor.u32 $0x4, v0;
	_ =	sdelay $0x3  }
0xe5: {  	v63 =	vmovc v62;
	v62 =	vmovc v61;
	v61 =	vmov v60;
	v60 =	vmov v59;
	v59 =	vmov v58;
	[tilespmem:v3+s9+$0x0] =	vst.idx.msk $0xffff, v2  }
0xe6: {  	v58 =	vmovc v57;
	v57 =	vmovc v56;
	v56 =	vmov v55;
	v55 =	vmov v54;
	v3 =	vor.u32 $0x384, v1;
	v2 =	vld.idx.msk [tilespmem:v4+s1+$0x0], $0xffff  }
0xe7: {  	v54 =	vmovc v53;
	v53 =	vmovc v52;
	v52 =	vmov v51;
	v51 =	vmov v50;
	v4 =	vor.u32 $0x5, v0  }
0xe8: {  	v50 =	vmovc v49;
	v49 =	vmovc v48;
	v48 =	vmov v47;
	v47 =	vmov v46;
	v46 =	vmov v45  }
0xe9: {  	v45 =	vmovc v44;
	v44 =	vmovc v43;
	v43 =	vmov v42;
	v42 =	vmov v41;
	v41 =	vmov v40  }
0xea: {  	v40 =	vmovc v39;
	v39 =	vmovc v38;
	v38 =	vmov v37;
	v37 =	vmov v36;
	v36 =	vmov v35  }
0xeb: {  	v35 =	vmovc v34;
	v34 =	vmovc v33;
	v33 =	vmov v32;
	v32 =	vmov v31;
	v31 =	vmov v30;
	[tilespmem:v3+s9+$0x0] =	vst.idx.msk $0xffff, v2  }
0xec: {  	v30 =	vmovc v29;
	v29 =	vmovc v28;
	v28 =	vmov v27;
	v27 =	vmov v26;
	v3 =	vor.u32 $0x385, v1;
	v2 =	vld.idx.msk [tilespmem:v4+s1+$0x0], $0xffff  }
0xed: {  	v26 =	vmovc v25;
	v25 =	vmovc v24;
	v24 =	vmov v23;
	v23 =	vmov v22;
	v4 =	vor.u32 $0x6, v0  }
0xee: {  	v22 =	vmovc v21;
	v21 =	vmovc v20;
	v20 =	vmov v19;
	v19 =	vmov v18;
	v18 =	vmov v17  }
0xef: {  	v17 =	vmovc v16;
	v16 =	vmovc v15;
	v15 =	vmov v14;
	v14 =	vmov v13;
	v13 =	vmov v12  }
0xf0: {  	v12 =	vmovc v11;
	v11 =	vmovc v10;
	v10 =	vmov v9;
	v9 =	vmov v8;
	v8 =	vmov v7  }
0xf1: {  	[tilespmem:v3+s9+$0x0] =	vst.idx.msk $0xffff, v2  }
0xf2: {  	v3 =	vor.u32 $0x386, v1;
	v2 =	vld.idx.msk [tilespmem:v4+s1+$0x0], $0xffff  }
0xf3: {  	v7 =	vmov v8;
	v8 =	vmov v9;
	v0 =	vor.u32 $0x7, v0  }
0xf4: {  	v9 =	vmovc v10;
	v10 =	vmovc v11;
	v11 =	vmov v12;
	v12 =	vmov v13;
	v13 =	vmov v14  }
0xf5: {  	v14 =	vmovc v15;
	v15 =	vmovc v16;
	v16 =	vmov v17;
	v17 =	vmov v18;
	v18 =	vmov v19  }
0xf6: {  	v19 =	vmovc v20;
	v20 =	vmovc v21;
	v21 =	vmov v22;
	v22 =	vmov v23;
	v23 =	vmov v24  }
0xf7: {  	v24 =	vmovc v25;
	v25 =	vmovc v26;
	v26 =	vmov v27;
	v27 =	vmov v28;
	v28 =	vmov v29;
	[tilespmem:v3+s9+$0x0] =	vst.idx.msk $0xffff, v2  }
0xf8: {  	v29 =	vmovc v30;
	v30 =	vmovc v31;
	v31 =	vmov v32;
	v32 =	vmov v33;
	v2 =	vor.u32 $0x387, v1;
	v0 =	vld.idx.msk [tilespmem:v0+s1+$0x0], $0xffff  }
0xf9: {  	v33 =	vmovc v34;
	v34 =	vmovc v35;
	v35 =	vmov v36;
	v36 =	vmov v37;
	v37 =	vmov v38  }
0xfa: {  	v38 =	vmovc v39;
	v39 =	vmovc v40;
	v40 =	vmov v41;
	v41 =	vmov v42;
	v42 =	vmov v43  }
0xfb: {  	v43 =	vmovc v44;
	v44 =	vmovc v45;
	v45 =	vmov v46;
	v46 =	vmov v47;
	v47 =	vmov v48  }
0xfc: {  	p0 =	sne.s32 s11, $0x780;
	v48 =	vmovc v49;
	v49 =	vmovc v50;
	v50 =	vmov v51;
	v51 =	vmov v52;
	v52 =	vmov v53  }
.Ltmp0:
0xfd: {  	s12 =	sadd.s32 s11, s6;
	v53 =	vmovc v54;
	v54 =	vmovc v55;
	v55 =	vmov v56;
	v56 =	vmov v57;
	v57 =	vmov v58;
	[tilespmem:v2+s9+$0x0] =	vst.idx.msk $0xffff, v0;
	(pc) =	sbr.rel @p0 .LBB2_2-.Ltmp0, $4  }
0xfe: {  	v58 =	vmovc v59;
	v59 =	vmovc v60;
	v60 =	vmov v61;
	v61 =	vmov v62;
	v62 =	vmov v63;
	v63 =	vld [tilespmem:$0x1FFE0];
	[hbm4b:s12+s1] =	stream.linear.scatter [tilespmem:s9], [sflag:$0x1], $0x400, $0x38  }
0xff: {  	v4 =	vld [tilespmem:$0x1FFF0];
	_ =	swait.ge [sflag:s8], $0x400  }
0x100: {  	[sflag:s8] =	ssyncset.done $0x0  }
0x101: {  	s11 =	sadd.s32 $0x80, s11;
	[sflag:s8] =	ssyncadd.s32 $0xFFFFFC00  }
0x102: {  	s10 =	sadd.s32 $0x1, s10  }
0x103: {  	p0 =	sne.s32 s10, s5  }
.Ltmp1:
0x104: {  	_ = 	snop;
	(pc) =	sbr.rel @p0 .LBB2_1-.Ltmp1, $1  }
0x105: {  	_ =	sdelay $0x3  }
0x106: {  	_ =	sfence.sel $0x180000  }
0x107: {  	[bflag:$0x0] =	sbarrier.arrive $0xFFFF  }
0x108: {  	p0 =	sne.s32 s2, $0x0;
	_ =	strace $0x90000047  }
0x109: {  	s0 =	sadd.s32 @!p0 $0x100000, s0;
	[bflag:$0x2] =	sbarrier.arrive $0xFFFF  }
0x10a: {  	[sflag:s0] =	ssyncadd.tile.s32 @!p0 $0x1;
	_ =	shalt  }
.Lfunc_end2:
_tile_overlayer_lowered:
.L_overlay_start_2:
0x10b: {  	(tag) =	ssettag $0x2  }
0x10c: {  	s0 =	rddreg [dreg:$0x0];
	s2 =	stileid.u32  }
0x10d: {  	s1 =	rddreg [dreg:$0x1];
	p0 =	sne.s32 s2, $0x0  }
0x10e: {  	s3 =	rddreg [dreg:$0x2];
	[bflag:$0x3] =	sbarrier.arrive $0xFFFF;
	s2 =	simm.s32 @!p0 $0x1C01  }
0x10f: {  	[timem:s3], [sflag:s2] =	dma.local @!p0 [hbm:s0], s1  }
0x110: {  	s0 =	simm.s32 @!p0 $0x1  }
0x111: {  	_ =	swait.ge @!p0 [sflag:s0], s1  }
0x112: {  	s1 =	ssub.s32 @!p0 $0x0, s1;
	[sflag:s0] =	ssyncset.done @!p0 $0x0  }
0x113: {  	[sflag:s0] =	ssyncadd.s32 @!p0 s1  }
0x114: {  	[bflag:$0x3] =	sbarrier.arrive $0xFFFF  }
0x115: {  	_ =	shalt  }

</sc_bundles>
